<compile_context>
chip_gen: v7x
topology: tpu7x:2x2x1
jax: 0.10.2.dev20260603
libtpu: 0.0.44.dev20260713+nightly
codegen_flags: <defaults>
</compile_context>

<pallas_src>
import functools

import jax
import jax.numpy as jnp
from jax import lax
from jax.experimental import pallas as pl
from jax.experimental.pallas import tpu as pltpu
from jax.experimental.pallas import tpu_sc as plsc

N = 10000
D = 128
H = 512
G = 256

NC = 2
NS = 16
NW = NC * NS

CH = 128
N_TC = 10240
N_SP = N_TC + NS
ZROWS = N_SP // NS
OROWS = N_TC // NS

BLK = 512
NB = 256



NROWBUF = 2
NIDX = 4


@functools.lru_cache(maxsize=None)
def _make_sc_aggregate(EP: int):
    EPW = EP // NW
    n_chunks = EPW // CH

    mesh = plsc.VectorSubcoreMesh(
        core_axis_name="c", subcore_axis_name="s", num_cores=NC, num_subcores=NS
    )

    @functools.partial(
        pl.kernel,
        out_type=jax.ShapeDtypeStruct((NC, N_TC, D), jnp.float32),
        mesh=mesh,
        scratch_types=[
            pltpu.VMEM((CH,), jnp.int32),
            pltpu.VMEM((CH,), jnp.int32),
            pltpu.VMEM((CH, D), jnp.float32),
            pltpu.VMEM_SHARED((N_SP, D), jnp.float32),
            pltpu.SemaphoreType.DMA,
        ],
    )
    def sc_aggregate(h_hbm, src_hbm, dst_hbm, out_hbm, src_v, dst_v, rows_v, agg_sh, sem):
        c = lax.axis_index("c")
        s = lax.axis_index("s")
        wid = c * NS + s
        ebase = wid * EPW

        zero16 = jnp.zeros((16,), jnp.float32)

        def _zero_row(i, carry):
            for j in range(D // 16):
                rows_v[i, pl.ds(j * 16, 16)] = zero16
            return carry

        lax.fori_loop(0, CH, _zero_row, 0)

        zbase = s * ZROWS
        off = 0
        while off < ZROWS:
            sz = min(CH, ZROWS - off)
            pltpu.sync_copy(rows_v.at[pl.ds(0, sz), :], agg_sh.at[pl.ds(zbase + off, sz), :])
            off += sz
        plsc.subcore_barrier()

        def _body(i, carry):
            b = ebase + i * CH
            pltpu.sync_copy(src_hbm.at[pl.ds(b, CH)], src_v)
            pltpu.sync_copy(dst_hbm.at[pl.ds(b, CH)], dst_v)
            pltpu.async_copy(h_hbm.at[src_v], rows_v, sem).wait()
            pltpu.sync_copy(rows_v, agg_sh.at[dst_v], add=True)
            return carry

        lax.fori_loop(0, n_chunks, _body, 0)
        plsc.subcore_barrier()

        ob = s * OROWS
        pltpu.sync_copy(agg_sh.at[pl.ds(ob, OROWS), :], out_hbm.at[c, pl.ds(ob, OROWS), :])

    return sc_aggregate



def _bdot(a, b):
    return jnp.dot(a.astype(jnp.bfloat16), b.astype(jnp.bfloat16),
                   preferred_element_type=jnp.float32)


def _mlp_body(h_ref, a0_ref, a1_ref, W1_ref, b1_ref, W2_ref, b2_ref, o_ref):
    agg = a0_ref[...] + a1_ref[...]
    z = _bdot(agg, W1_ref[...]) + b1_ref[...]
    z = jnp.maximum(z, 0.0)
    o_ref[...] = h_ref[...] + _bdot(z, W2_ref[...]) + b2_ref[...]


def _tc_mlp(h, a0, a1, W1, b1, W2, b2):
    grid = (N_TC // BLK,)
    return pl.pallas_call(
        _mlp_body,
        grid=grid,
        in_specs=[
            pl.BlockSpec((BLK, D), lambda i: (i, 0)),
            pl.BlockSpec((BLK, D), lambda i: (i, 0)),
            pl.BlockSpec((BLK, D), lambda i: (i, 0)),
            pl.BlockSpec((D, H), lambda i: (0, 0)),
            pl.BlockSpec((1, H), lambda i: (0, 0)),
            pl.BlockSpec((H, D), lambda i: (0, 0)),
            pl.BlockSpec((1, D), lambda i: (0, 0)),
        ],
        out_specs=pl.BlockSpec((BLK, D), lambda i: (i, 0)),
        out_shape=jax.ShapeDtypeStruct((N_TC, D), jnp.float32),
    )(h, a0, a1, W1, b1, W2, b2)



def _pool_body(batch_ref, h_ref, lng_ref, lnb_ref, W1_ref, b1_ref, bng_ref,
               bnb_ref, W2_ref, b2_ref, o_ref, acc_ref):
    i = pl.program_id(0)

    @pl.when(i == 0)
    def _():
        acc_ref[...] = jnp.zeros_like(acc_ref)

    b = batch_ref[...].reshape(1, NB)
    gids = lax.broadcasted_iota(jnp.int32, (G, 1), 0)
    P = (b == gids).astype(jnp.float32)
    acc_ref[...] += jnp.dot(P, h_ref[...], preferred_element_type=jnp.float32,
                            precision=lax.Precision.HIGHEST)

    @pl.when(i == pl.num_programs(0) - 1)
    def _():
        g = acc_ref[...]
        mu = jnp.mean(g, axis=1, keepdims=True)
        var = jnp.mean((g - mu) ** 2, axis=1, keepdims=True)
        z = (g - mu) / jnp.sqrt(var + 1e-5) * lng_ref[...] + lnb_ref[...]
        z = _bdot(z, W1_ref[...]) + b1_ref[...]
        z = z * (1.0 / jnp.sqrt(1.0 + 1e-5)) * bng_ref[...] + bnb_ref[...]
        z = jnp.maximum(z, 0.0)
        out = _bdot(z, W2_ref[...]) + b2_ref[...]
        o_ref[...] = jnp.clip(out, 0.0, 100.0)


def _tc_pool_head(batch3d, h, ln_g, ln_b, W_fc1, b_fc1, bn_g, bn_b, W_fc2, b_fc2):
    grid = (N_TC // NB,)
    return pl.pallas_call(
        _pool_body,
        grid=grid,
        in_specs=[
            pl.BlockSpec((1, 1, NB), lambda i: (i, 0, 0)),
            pl.BlockSpec((NB, D), lambda i: (i, 0)),
            pl.BlockSpec((1, D), lambda i: (0, 0)),
            pl.BlockSpec((1, D), lambda i: (0, 0)),
            pl.BlockSpec((D, D), lambda i: (0, 0)),
            pl.BlockSpec((1, D), lambda i: (0, 0)),
            pl.BlockSpec((1, D), lambda i: (0, 0)),
            pl.BlockSpec((1, D), lambda i: (0, 0)),
            pl.BlockSpec((D, 1), lambda i: (0, 0)),
            pl.BlockSpec((1, 1), lambda i: (0, 0)),
        ],
        out_specs=pl.BlockSpec((G, 1), lambda i: (0, 0)),
        out_shape=jax.ShapeDtypeStruct((G, 1), jnp.float32),
        scratch_shapes=[pltpu.VMEM((G, D), jnp.float32)],
    )(batch3d, h, ln_g, ln_b, W_fc1, b_fc1, bn_g, bn_b, W_fc2, b_fc2)



def kernel(x, edge_index, batch,
           W_msg1_0, b_msg1_0, W_msg2_0, b_msg2_0,
           W_msg1_1, b_msg1_1, W_msg2_1, b_msg2_1,
           ln_g, ln_b, W_fc1, b_fc1, bn_g, bn_b, W_fc2, b_fc2):
    E = edge_index.shape[1]
    GRP = NW * CH
    EP = ((E + GRP - 1) // GRP) * GRP

    src = edge_index[0].astype(jnp.int32)
    dst = edge_index[1].astype(jnp.int32)
    pad = EP - E
    src_p = jnp.concatenate([src, jnp.zeros((pad,), jnp.int32)])
    dst_p = jnp.concatenate([dst, jnp.full((pad,), N_TC, jnp.int32)])

    x_p = jnp.pad(x, ((0, N_TC - N), (0, 0)))
    batch_p = jnp.concatenate(
        [batch.astype(jnp.int32), jnp.full((N_TC - N,), jnp.int32(1 << 28), jnp.int32)]
    ).reshape(N_TC // NB, 1, NB)

    sc_aggregate = _make_sc_aggregate(EP)

    b1_0 = b_msg1_0.reshape(1, H)
    b2_0 = b_msg2_0.reshape(1, D)
    b1_1 = b_msg1_1.reshape(1, H)
    b2_1 = b_msg2_1.reshape(1, D)

    agg = sc_aggregate(x_p, src_p, dst_p)
    h1 = _tc_mlp(x_p, agg[0], agg[1], W_msg1_0, b1_0, W_msg2_0, b2_0)
    agg = sc_aggregate(h1, src_p, dst_p)
    h2 = _tc_mlp(h1, agg[0], agg[1], W_msg1_1, b1_1, W_msg2_1, b2_1)

    out = _tc_pool_head(
        batch_p, h2,
        ln_g.reshape(1, D), ln_b.reshape(1, D),
        W_fc1, b_fc1.reshape(1, D),
        bn_g.reshape(1, D), bn_b.reshape(1, D),
        W_fc2, b_fc2.reshape(1, 1),
    )
    return out[:, 0]

# --- scband reference (transcript-rebuilt; emitter-appended) ---
"""Pipeline reference for scband-med-model-55576876810339 (READ-ONLY COPY).

The authoritative reference and input builder live on the scoring server;
editing this copy changes nothing except your own understanding.
"""

import jax, jax.numpy as jnp
import numpy as np

N = 10000
E = 320000
D = 128
H = 512
G = 256


def setup_inputs(seed: int = 0) -> dict:
    key = jax.random.key(seed)
    ks = jax.random.split(key, 24)
    x = jax.random.normal(ks[0], (N, D), dtype=jnp.float32)
    edge_index = jax.random.randint(ks[1], (2, E), 0, N).astype(jnp.int64)
    batch = jnp.sort(jax.random.randint(ks[2], (N,), 0, G)).astype(jnp.int64)
    s_in = 1.0 / np.sqrt(D)
    s_hid = 1.0 / np.sqrt(H)
    inp = {
        "x": x,
        "edge_index": edge_index,
        "batch": batch,
        # GNN message MLPs (mlp_layers=2, mlp_hidden_size=512), two message-passing steps
        "W_msg1_0": jax.random.normal(ks[3], (D, H), dtype=jnp.float32) * s_in,
        "b_msg1_0": jnp.zeros((H,), dtype=jnp.float32),
        "W_msg2_0": jax.random.normal(ks[4], (H, D), dtype=jnp.float32) * s_hid,
        "b_msg2_0": jnp.zeros((D,), dtype=jnp.float32),
        "W_msg1_1": jax.random.normal(ks[5], (D, H), dtype=jnp.float32) * s_in,
        "b_msg1_1": jnp.zeros((H,), dtype=jnp.float32),
        "W_msg2_1": jax.random.normal(ks[6], (H, D), dtype=jnp.float32) * s_hid,
        "b_msg2_1": jnp.zeros((D,), dtype=jnp.float32),
        # prediction head fc1: LayerNorm -> Linear(D,D) -> BatchNorm(eval) -> ReLU -> Linear(D,1)
        "ln_g": jnp.ones((D,), dtype=jnp.float32),
        "ln_b": jnp.zeros((D,), dtype=jnp.float32),
        "W_fc1": jax.random.normal(ks[7], (D, D), dtype=jnp.float32) * s_in,
        "b_fc1": jnp.zeros((D,), dtype=jnp.float32),
        "bn_g": jnp.ones((D,), dtype=jnp.float32),
        "bn_b": jnp.zeros((D,), dtype=jnp.float32),
        "W_fc2": jax.random.normal(ks[8], (D, 1), dtype=jnp.float32) * 0.01,
        "b_fc2": jnp.zeros((1,), dtype=jnp.float32),
    }
    return inp


def reference(x, edge_index, batch,
              W_msg1_0, b_msg1_0, W_msg2_0, b_msg2_0,
              W_msg1_1, b_msg1_1, W_msg2_1, b_msg2_1,
              ln_g, ln_b, W_fc1, b_fc1, bn_g, bn_b, W_fc2, b_fc2):
    src = edge_index[0]
    dst = edge_index[1]
    h = x
    layers = ((W_msg1_0, b_msg1_0, W_msg2_0, b_msg2_0),
              (W_msg1_1, b_msg1_1, W_msg2_1, b_msg2_1))
    for (W1, b1, W2, b2) in layers:
        msgs = jnp.take(h, src, axis=0)                       # gather on src nodes
        agg = jax.ops.segment_sum(msgs, dst, num_segments=N)  # node_reducer='sum'
        upd = jnp.maximum(agg @ W1 + b1, 0.0) @ W2 + b2       # 2-layer MLP, hidden 512
        h = h + upd                                           # residual update
    # graph_pooling='sum'
    g = jax.ops.segment_sum(h, batch, num_segments=G)
    # head: LayerNorm
    mu = jnp.mean(g, axis=-1, keepdims=True)
    var = jnp.var(g, axis=-1, keepdims=True)
    z = (g - mu) / jnp.sqrt(var + 1e-5) * ln_g + ln_b
    z = z @ W_fc1 + b_fc1
    # BatchNorm1d in eval mode with running_mean=0, running_var=1
    z = z / jnp.sqrt(1.0 + 1e-5) * bn_g + bn_b
    z = jnp.maximum(z, 0.0)                                   # Dropout is identity at eval
    out = (z @ W_fc2 + b_fc2)[:, 0]
    return jnp.clip(out, 0.0, 100.0)

if __name__ == "__main__":
    import jax
    _d = setup_inputs()
    print(jax.jit(kernel)(*tuple(_d.values())))

</pallas_src>

<mosaic_0001>
#map = affine_map<(d0, d1) -> (0, 0)>
#map1 = affine_map<(d0, d1) -> (0)>
#map2 = affine_map<(d0, d1) -> (0, 0, 0)>
module attributes {stable_mosaic.version = 14 : i64} {
  func.func @sc_aggregate(%arg0: i32, %arg1: i32, %arg2: memref<10240x128xf32, #tpu.memory_space<hbm>>, %arg3: memref<323584xi32, #tpu.memory_space<hbm>>, %arg4: memref<323584xi32, #tpu.memory_space<hbm>>, %arg5: memref<2x10240x128xf32, #tpu.memory_space<hbm>>, %arg6: memref<128xi32, #tpu.memory_space<vmem>>, %arg7: memref<128xi32, #tpu.memory_space<vmem>>, %arg8: memref<128x128xf32, #tpu.memory_space<vmem>>, %arg9: memref<10256x128xf32, #tpu.memory_space<vmem_shared>>, %arg10: memref<!tpu.dma_semaphore, #tpu.memory_space<semaphore_mem>>) attributes {dimension_semantics = [#tpu.dimension_semantics<core_parallel>, #tpu.dimension_semantics<subcore_parallel>], iteration_bounds = array<i64: 2, 16>, scalar_prefetch = 0 : i64, scratch_operands = 5 : i64, tpu.core_type = #tpu.core_type<sc_vector_subcore>, window_params = [{transform_indices = #map}, {transform_indices = #map1}, {transform_indices = #map1}, {transform_indices = #map2}]} {
    %mul3A = arith.constant 16 : i32
    %mul3A_0 = arith.muli %arg0, %mul3A : i32
    %add3A = arith.addi %mul3A_0, %arg1 : i32
    %mul3A_1 = arith.constant 10112 : i32
    %mul3A_2 = arith.muli %add3A, %mul3A_1 : i32
    %broadcast_in_dim3A = arith.constant 0.000000e+00 : f32
    %broadcast_in_dim3A_3 = vector.broadcast %broadcast_in_dim3A : f32 to vector<16xf32>
    %scan3A = arith.constant 0 : i32
    %scan3A_4 = arith.constant 0 : i32
    %scan3A_5 = arith.constant 128 : i32
    %scan3A_6 = arith.addi %scan3A_4, %scan3A_5 : i32
    %scan3A_7 = arith.constant 1 : i32
    scf.for %scan3A_32 = %scan3A_4 to %scan3A_6 step %scan3A_7  : i32 {
      %swap3A = arith.index_cast %scan3A_32 : i32 to index
      %swap3A_33 = arith.constant 0 : index
      %swap3A_34 = tpu.vector_load %arg8[%swap3A, %swap3A_33] {strides = array<i32>} : memref<128x128xf32, #tpu.memory_space<vmem>>, vector<1x16xf32>,
      %swap3A_35 = vector.shape_cast %swap3A_34 : vector<1x16xf32> to vector<16xf32>
      %swap3A_36 = vector.shape_cast %broadcast_in_dim3A_3 : vector<16xf32> to vector<1x16xf32>
      tpu.vector_store %arg8[%swap3A, %swap3A_33], %swap3A_36 {strides = array<i32>} : memref<128x128xf32, #tpu.memory_space<vmem>>, vector<1x16xf32>,
      %swap3A_37 = arith.index_cast %scan3A_32 : i32 to index
      %swap3A_38 = arith.constant 16 : index
      %swap3A_39 = tpu.vector_load %arg8[%swap3A_37, %swap3A_38] {strides = array<i32>} : memref<128x128xf32, #tpu.memory_space<vmem>>, vector<1x16xf32>,
      %swap3A_40 = vector.shape_cast %swap3A_39 : vector<1x16xf32> to vector<16xf32>
      %swap3A_41 = vector.shape_cast %broadcast_in_dim3A_3 : vector<16xf32> to vector<1x16xf32>
      tpu.vector_store %arg8[%swap3A_37, %swap3A_38], %swap3A_41 {strides = array<i32>} : memref<128x128xf32, #tpu.memory_space<vmem>>, vector<1x16xf32>,
      %swap3A_42 = arith.index_cast %scan3A_32 : i32 to index
      %swap3A_43 = arith.constant 32 : index
      %swap3A_44 = tpu.vector_load %arg8[%swap3A_42, %swap3A_43] {strides = array<i32>} : memref<128x128xf32, #tpu.memory_space<vmem>>, vector<1x16xf32>,
      %swap3A_45 = vector.shape_cast %swap3A_44 : vector<1x16xf32> to vector<16xf32>
      %swap3A_46 = vector.shape_cast %broadcast_in_dim3A_3 : vector<16xf32> to vector<1x16xf32>
      tpu.vector_store %arg8[%swap3A_42, %swap3A_43], %swap3A_46 {strides = array<i32>} : memref<128x128xf32, #tpu.memory_space<vmem>>, vector<1x16xf32>,
      %swap3A_47 = arith.index_cast %scan3A_32 : i32 to index
      %swap3A_48 = arith.constant 48 : index
      %swap3A_49 = tpu.vector_load %arg8[%swap3A_47, %swap3A_48] {strides = array<i32>} : memref<128x128xf32, #tpu.memory_space<vmem>>, vector<1x16xf32>,
      %swap3A_50 = vector.shape_cast %swap3A_49 : vector<1x16xf32> to vector<16xf32>
      %swap3A_51 = vector.shape_cast %broadcast_in_dim3A_3 : vector<16xf32> to vector<1x16xf32>
      tpu.vector_store %arg8[%swap3A_47, %swap3A_48], %swap3A_51 {strides = array<i32>} : memref<128x128xf32, #tpu.memory_space<vmem>>, vector<1x16xf32>,
      %swap3A_52 = arith.index_cast %scan3A_32 : i32 to index
      %swap3A_53 = arith.constant 64 : index
      %swap3A_54 = tpu.vector_load %arg8[%swap3A_52, %swap3A_53] {strides = array<i32>} : memref<128x128xf32, #tpu.memory_space<vmem>>, vector<1x16xf32>,
      %swap3A_55 = vector.shape_cast %swap3A_54 : vector<1x16xf32> to vector<16xf32>
      %swap3A_56 = vector.shape_cast %broadcast_in_dim3A_3 : vector<16xf32> to vector<1x16xf32>
      tpu.vector_store %arg8[%swap3A_52, %swap3A_53], %swap3A_56 {strides = array<i32>} : memref<128x128xf32, #tpu.memory_space<vmem>>, vector<1x16xf32>,
      %swap3A_57 = arith.index_cast %scan3A_32 : i32 to index
      %swap3A_58 = arith.constant 80 : index
      %swap3A_59 = tpu.vector_load %arg8[%swap3A_57, %swap3A_58] {strides = array<i32>} : memref<128x128xf32, #tpu.memory_space<vmem>>, vector<1x16xf32>,
      %swap3A_60 = vector.shape_cast %swap3A_59 : vector<1x16xf32> to vector<16xf32>
      %swap3A_61 = vector.shape_cast %broadcast_in_dim3A_3 : vector<16xf32> to vector<1x16xf32>
      tpu.vector_store %arg8[%swap3A_57, %swap3A_58], %swap3A_61 {strides = array<i32>} : memref<128x128xf32, #tpu.memory_space<vmem>>, vector<1x16xf32>,
      %swap3A_62 = arith.index_cast %scan3A_32 : i32 to index
      %swap3A_63 = arith.constant 96 : index
      %swap3A_64 = tpu.vector_load %arg8[%swap3A_62, %swap3A_63] {strides = array<i32>} : memref<128x128xf32, #tpu.memory_space<vmem>>, vector<1x16xf32>,
      %swap3A_65 = vector.shape_cast %swap3A_64 : vector<1x16xf32> to vector<16xf32>
      %swap3A_66 = vector.shape_cast %broadcast_in_dim3A_3 : vector<16xf32> to vector<1x16xf32>
      tpu.vector_store %arg8[%swap3A_62, %swap3A_63], %swap3A_66 {strides = array<i32>} : memref<128x128xf32, #tpu.memory_space<vmem>>, vector<1x16xf32>,
      %swap3A_67 = arith.index_cast %scan3A_32 : i32 to index
      %swap3A_68 = arith.constant 112 : index
      %swap3A_69 = tpu.vector_load %arg8[%swap3A_67, %swap3A_68] {strides = array<i32>} : memref<128x128xf32, #tpu.memory_space<vmem>>, vector<1x16xf32>,
      %swap3A_70 = vector.shape_cast %swap3A_69 : vector<1x16xf32> to vector<16xf32>
      %swap3A_71 = vector.shape_cast %broadcast_in_dim3A_3 : vector<16xf32> to vector<1x16xf32>
      tpu.vector_store %arg8[%swap3A_67, %swap3A_68], %swap3A_71 {strides = array<i32>} : memref<128x128xf32, #tpu.memory_space<vmem>>, vector<1x16xf32>,
    }
    %scan3A_8 = arith.constant 128 : i32
    %mul3A_9 = arith.constant 641 : i32
    %mul3A_10 = arith.muli %arg1, %mul3A_9 : i32
    %add3A_11 = arith.constant 0 : i32
    %add3A_12 = arith.addi %mul3A_10, %add3A_11 : i32
    "tpu.region"() ({
      %run_scoped3A = tpu.sem_alloc : memref<!tpu.dma_semaphore, #tpu.memory_space<semaphore_mem>>
      %dma_start3A = arith.constant 0 : i32
      %dma_start3A_32 = arith.constant 0 : i32
      %dma_start3A_33 = tpu.memref_slice %arg8[%dma_start3A, %dma_start3A_32] : memref<128x128xf32, #tpu.memory_space<vmem>> -> memref<128x128xf32, #tpu.memory_space<vmem>>
      %dma_start3A_34 = arith.constant 0 : i32
      %dma_start3A_35 = tpu.memref_slice %arg9[%add3A_12, %dma_start3A_34] : memref<10256x128xf32, #tpu.memory_space<vmem_shared>> -> memref<128x128xf32, #tpu.memory_space<vmem_shared>>
      %dma_start3A_36 = arith.constant 0 : i32
      %dma_start3A_37 = tpu.memref_slice %arg9[%add3A_12, %dma_start3A_36] : memref<10256x128xf32, #tpu.memory_space<vmem_shared>> -> memref<128x128xf32, #tpu.memory_space<vmem_shared>>
      %dma_start3A_38 = arith.constant 0 : i32
      %dma_start3A_39 = arith.constant 0 : i32
      %dma_start3A_40 = tpu.memref_slice %arg8[%dma_start3A_38, %dma_start3A_39] : memref<128x128xf32, #tpu.memory_space<vmem>> -> memref<128x128xf32, #tpu.memory_space<vmem>>
      tpu.enqueue_dma source(%dma_start3A_40 : memref<128x128xf32, #tpu.memory_space<vmem>>) target(%dma_start3A_37 : memref<128x128xf32, #tpu.memory_space<vmem_shared>>) target_semaphore(%run_scoped3A : memref<!tpu.dma_semaphore, #tpu.memory_space<semaphore_mem>>)
      %dma_wait3A = arith.constant 0 : i32
      %dma_wait3A_41 = arith.constant 0 : i32
      %dma_wait3A_42 = tpu.memref_slice %arg8[%dma_wait3A, %dma_wait3A_41] : memref<128x128xf32, #tpu.memory_space<vmem>> -> memref<128x128xf32, #tpu.memory_space<vmem>>
      %dma_wait3A_43 = arith.constant 0 : i32
      %dma_wait3A_44 = tpu.memref_slice %arg9[%add3A_12, %dma_wait3A_43] : memref<10256x128xf32, #tpu.memory_space<vmem_shared>> -> memref<128x128xf32, #tpu.memory_space<vmem_shared>>
      %dma_wait3A_45 = arith.constant 0 : i32
      %dma_wait3A_46 = tpu.memref_slice %arg9[%add3A_12, %dma_wait3A_45] : memref<10256x128xf32, #tpu.memory_space<vmem_shared>> -> memref<128x128xf32, #tpu.memory_space<vmem_shared>>
      %dma_wait3A_47 = arith.constant 0 : i32
      %dma_wait3A_48 = arith.constant 0 : i32
      %dma_wait3A_49 = tpu.memref_slice %arg8[%dma_wait3A_47, %dma_wait3A_48] : memref<128x128xf32, #tpu.memory_space<vmem>> -> memref<128x128xf32, #tpu.memory_space<vmem>>
      tpu.wait_dma2 semaphore(%run_scoped3A : memref<!tpu.dma_semaphore, #tpu.memory_space<semaphore_mem>>) src(%dma_wait3A_49 : memref<128x128xf32, #tpu.memory_space<vmem>>) dst(%dma_wait3A_46 : memref<128x128xf32, #tpu.memory_space<vmem_shared>>)
      tpu.yield
    }) : () -> ()
    %add3A_13 = arith.constant 128 : i32
    %add3A_14 = arith.addi %mul3A_10, %add3A_13 : i32
    "tpu.region"() ({
      %run_scoped3A = tpu.sem_alloc : memref<!tpu.dma_semaphore, #tpu.memory_space<semaphore_mem>>
      %dma_start3A = arith.constant 0 : i32
      %dma_start3A_32 = arith.constant 0 : i32
      %dma_start3A_33 = tpu.memref_slice %arg8[%dma_start3A, %dma_start3A_32] : memref<128x128xf32, #tpu.memory_space<vmem>> -> memref<128x128xf32, #tpu.memory_space<vmem>>
      %dma_start3A_34 = arith.constant 0 : i32
      %dma_start3A_35 = tpu.memref_slice %arg9[%add3A_14, %dma_start3A_34] : memref<10256x128xf32, #tpu.memory_space<vmem_shared>> -> memref<128x128xf32, #tpu.memory_space<vmem_shared>>
      %dma_start3A_36 = arith.constant 0 : i32
      %dma_start3A_37 = tpu.memref_slice %arg9[%add3A_14, %dma_start3A_36] : memref<10256x128xf32, #tpu.memory_space<vmem_shared>> -> memref<128x128xf32, #tpu.memory_space<vmem_shared>>
      %dma_start3A_38 = arith.constant 0 : i32
      %dma_start3A_39 = arith.constant 0 : i32
      %dma_start3A_40 = tpu.memref_slice %arg8[%dma_start3A_38, %dma_start3A_39] : memref<128x128xf32, #tpu.memory_space<vmem>> -> memref<128x128xf32, #tpu.memory_space<vmem>>
      tpu.enqueue_dma source(%dma_start3A_40 : memref<128x128xf32, #tpu.memory_space<vmem>>) target(%dma_start3A_37 : memref<128x128xf32, #tpu.memory_space<vmem_shared>>) target_semaphore(%run_scoped3A : memref<!tpu.dma_semaphore, #tpu.memory_space<semaphore_mem>>)
      %dma_wait3A = arith.constant 0 : i32
      %dma_wait3A_41 = arith.constant 0 : i32
      %dma_wait3A_42 = tpu.memref_slice %arg8[%dma_wait3A, %dma_wait3A_41] : memref<128x128xf32, #tpu.memory_space<vmem>> -> memref<128x128xf32, #tpu.memory_space<vmem>>
      %dma_wait3A_43 = arith.constant 0 : i32
      %dma_wait3A_44 = tpu.memref_slice %arg9[%add3A_14, %dma_wait3A_43] : memref<10256x128xf32, #tpu.memory_space<vmem_shared>> -> memref<128x128xf32, #tpu.memory_space<vmem_shared>>
      %dma_wait3A_45 = arith.constant 0 : i32
      %dma_wait3A_46 = tpu.memref_slice %arg9[%add3A_14, %dma_wait3A_45] : memref<10256x128xf32, #tpu.memory_space<vmem_shared>> -> memref<128x128xf32, #tpu.memory_space<vmem_shared>>
      %dma_wait3A_47 = arith.constant 0 : i32
      %dma_wait3A_48 = arith.constant 0 : i32
      %dma_wait3A_49 = tpu.memref_slice %arg8[%dma_wait3A_47, %dma_wait3A_48] : memref<128x128xf32, #tpu.memory_space<vmem>> -> memref<128x128xf32, #tpu.memory_space<vmem>>
      tpu.wait_dma2 semaphore(%run_scoped3A : memref<!tpu.dma_semaphore, #tpu.memory_space<semaphore_mem>>) src(%dma_wait3A_49 : memref<128x128xf32, #tpu.memory_space<vmem>>) dst(%dma_wait3A_46 : memref<128x128xf32, #tpu.memory_space<vmem_shared>>)
      tpu.yield
    }) : () -> ()
    %add3A_15 = arith.constant 256 : i32
    %add3A_16 = arith.addi %mul3A_10, %add3A_15 : i32
    "tpu.region"() ({
      %run_scoped3A = tpu.sem_alloc : memref<!tpu.dma_semaphore, #tpu.memory_space<semaphore_mem>>
      %dma_start3A = arith.constant 0 : i32
      %dma_start3A_32 = arith.constant 0 : i32
      %dma_start3A_33 = tpu.memref_slice %arg8[%dma_start3A, %dma_start3A_32] : memref<128x128xf32, #tpu.memory_space<vmem>> -> memref<128x128xf32, #tpu.memory_space<vmem>>
      %dma_start3A_34 = arith.constant 0 : i32
      %dma_start3A_35 = tpu.memref_slice %arg9[%add3A_16, %dma_start3A_34] : memref<10256x128xf32, #tpu.memory_space<vmem_shared>> -> memref<128x128xf32, #tpu.memory_space<vmem_shared>>
      %dma_start3A_36 = arith.constant 0 : i32
      %dma_start3A_37 = tpu.memref_slice %arg9[%add3A_16, %dma_start3A_36] : memref<10256x128xf32, #tpu.memory_space<vmem_shared>> -> memref<128x128xf32, #tpu.memory_space<vmem_shared>>
      %dma_start3A_38 = arith.constant 0 : i32
      %dma_start3A_39 = arith.constant 0 : i32
      %dma_start3A_40 = tpu.memref_slice %arg8[%dma_start3A_38, %dma_start3A_39] : memref<128x128xf32, #tpu.memory_space<vmem>> -> memref<128x128xf32, #tpu.memory_space<vmem>>
      tpu.enqueue_dma source(%dma_start3A_40 : memref<128x128xf32, #tpu.memory_space<vmem>>) target(%dma_start3A_37 : memref<128x128xf32, #tpu.memory_space<vmem_shared>>) target_semaphore(%run_scoped3A : memref<!tpu.dma_semaphore, #tpu.memory_space<semaphore_mem>>)
      %dma_wait3A = arith.constant 0 : i32
      %dma_wait3A_41 = arith.constant 0 : i32
      %dma_wait3A_42 = tpu.memref_slice %arg8[%dma_wait3A, %dma_wait3A_41] : memref<128x128xf32, #tpu.memory_space<vmem>> -> memref<128x128xf32, #tpu.memory_space<vmem>>
      %dma_wait3A_43 = arith.constant 0 : i32
      %dma_wait3A_44 = tpu.memref_slice %arg9[%add3A_16, %dma_wait3A_43] : memref<10256x128xf32, #tpu.memory_space<vmem_shared>> -> memref<128x128xf32, #tpu.memory_space<vmem_shared>>
      %dma_wait3A_45 = arith.constant 0 : i32
      %dma_wait3A_46 = tpu.memref_slice %arg9[%add3A_16, %dma_wait3A_45] : memref<10256x128xf32, #tpu.memory_space<vmem_shared>> -> memref<128x128xf32, #tpu.memory_space<vmem_shared>>
      %dma_wait3A_47 = arith.constant 0 : i32
      %dma_wait3A_48 = arith.constant 0 : i32
      %dma_wait3A_49 = tpu.memref_slice %arg8[%dma_wait3A_47, %dma_wait3A_48] : memref<128x128xf32, #tpu.memory_space<vmem>> -> memref<128x128xf32, #tpu.memory_space<vmem>>
      tpu.wait_dma2 semaphore(%run_scoped3A : memref<!tpu.dma_semaphore, #tpu.memory_space<semaphore_mem>>) src(%dma_wait3A_49 : memref<128x128xf32, #tpu.memory_space<vmem>>) dst(%dma_wait3A_46 : memref<128x128xf32, #tpu.memory_space<vmem_shared>>)
      tpu.yield
    }) : () -> ()
    %add3A_17 = arith.constant 384 : i32
    %add3A_18 = arith.addi %mul3A_10, %add3A_17 : i32
    "tpu.region"() ({
      %run_scoped3A = tpu.sem_alloc : memref<!tpu.dma_semaphore, #tpu.memory_space<semaphore_mem>>
      %dma_start3A = arith.constant 0 : i32
      %dma_start3A_32 = arith.constant 0 : i32
      %dma_start3A_33 = tpu.memref_slice %arg8[%dma_start3A, %dma_start3A_32] : memref<128x128xf32, #tpu.memory_space<vmem>> -> memref<128x128xf32, #tpu.memory_space<vmem>>
      %dma_start3A_34 = arith.constant 0 : i32
      %dma_start3A_35 = tpu.memref_slice %arg9[%add3A_18, %dma_start3A_34] : memref<10256x128xf32, #tpu.memory_space<vmem_shared>> -> memref<128x128xf32, #tpu.memory_space<vmem_shared>>
      %dma_start3A_36 = arith.constant 0 : i32
      %dma_start3A_37 = tpu.memref_slice %arg9[%add3A_18, %dma_start3A_36] : memref<10256x128xf32, #tpu.memory_space<vmem_shared>> -> memref<128x128xf32, #tpu.memory_space<vmem_shared>>
      %dma_start3A_38 = arith.constant 0 : i32
      %dma_start3A_39 = arith.constant 0 : i32
      %dma_start3A_40 = tpu.memref_slice %arg8[%dma_start3A_38, %dma_start3A_39] : memref<128x128xf32, #tpu.memory_space<vmem>> -> memref<128x128xf32, #tpu.memory_space<vmem>>
      tpu.enqueue_dma source(%dma_start3A_40 : memref<128x128xf32, #tpu.memory_space<vmem>>) target(%dma_start3A_37 : memref<128x128xf32, #tpu.memory_space<vmem_shared>>) target_semaphore(%run_scoped3A : memref<!tpu.dma_semaphore, #tpu.memory_space<semaphore_mem>>)
      %dma_wait3A = arith.constant 0 : i32
      %dma_wait3A_41 = arith.constant 0 : i32
      %dma_wait3A_42 = tpu.memref_slice %arg8[%dma_wait3A, %dma_wait3A_41] : memref<128x128xf32, #tpu.memory_space<vmem>> -> memref<128x128xf32, #tpu.memory_space<vmem>>
      %dma_wait3A_43 = arith.constant 0 : i32
      %dma_wait3A_44 = tpu.memref_slice %arg9[%add3A_18, %dma_wait3A_43] : memref<10256x128xf32, #tpu.memory_space<vmem_shared>> -> memref<128x128xf32, #tpu.memory_space<vmem_shared>>
      %dma_wait3A_45 = arith.constant 0 : i32
      %dma_wait3A_46 = tpu.memref_slice %arg9[%add3A_18, %dma_wait3A_45] : memref<10256x128xf32, #tpu.memory_space<vmem_shared>> -> memref<128x128xf32, #tpu.memory_space<vmem_shared>>
      %dma_wait3A_47 = arith.constant 0 : i32
      %dma_wait3A_48 = arith.constant 0 : i32
      %dma_wait3A_49 = tpu.memref_slice %arg8[%dma_wait3A_47, %dma_wait3A_48] : memref<128x128xf32, #tpu.memory_space<vmem>> -> memref<128x128xf32, #tpu.memory_space<vmem>>
      tpu.wait_dma2 semaphore(%run_scoped3A : memref<!tpu.dma_semaphore, #tpu.memory_space<semaphore_mem>>) src(%dma_wait3A_49 : memref<128x128xf32, #tpu.memory_space<vmem>>) dst(%dma_wait3A_46 : memref<128x128xf32, #tpu.memory_space<vmem_shared>>)
      tpu.yield
    }) : () -> ()
    %add3A_19 = arith.constant 512 : i32
    %add3A_20 = arith.addi %mul3A_10, %add3A_19 : i32
    "tpu.region"() ({
      %run_scoped3A = tpu.sem_alloc : memref<!tpu.dma_semaphore, #tpu.memory_space<semaphore_mem>>
      %dma_start3A = arith.constant 0 : i32
      %dma_start3A_32 = arith.constant 0 : i32
      %dma_start3A_33 = tpu.memref_slice %arg8[%dma_start3A, %dma_start3A_32] : memref<128x128xf32, #tpu.memory_space<vmem>> -> memref<128x128xf32, #tpu.memory_space<vmem>>
      %dma_start3A_34 = arith.constant 0 : i32
      %dma_start3A_35 = tpu.memref_slice %arg9[%add3A_20, %dma_start3A_34] : memref<10256x128xf32, #tpu.memory_space<vmem_shared>> -> memref<128x128xf32, #tpu.memory_space<vmem_shared>>
      %dma_start3A_36 = arith.constant 0 : i32
      %dma_start3A_37 = tpu.memref_slice %arg9[%add3A_20, %dma_start3A_36] : memref<10256x128xf32, #tpu.memory_space<vmem_shared>> -> memref<128x128xf32, #tpu.memory_space<vmem_shared>>
      %dma_start3A_38 = arith.constant 0 : i32
      %dma_start3A_39 = arith.constant 0 : i32
      %dma_start3A_40 = tpu.memref_slice %arg8[%dma_start3A_38, %dma_start3A_39] : memref<128x128xf32, #tpu.memory_space<vmem>> -> memref<128x128xf32, #tpu.memory_space<vmem>>
      tpu.enqueue_dma source(%dma_start3A_40 : memref<128x128xf32, #tpu.memory_space<vmem>>) target(%dma_start3A_37 : memref<128x128xf32, #tpu.memory_space<vmem_shared>>) target_semaphore(%run_scoped3A : memref<!tpu.dma_semaphore, #tpu.memory_space<semaphore_mem>>)
      %dma_wait3A = arith.constant 0 : i32
      %dma_wait3A_41 = arith.constant 0 : i32
      %dma_wait3A_42 = tpu.memref_slice %arg8[%dma_wait3A, %dma_wait3A_41] : memref<128x128xf32, #tpu.memory_space<vmem>> -> memref<128x128xf32, #tpu.memory_space<vmem>>
      %dma_wait3A_43 = arith.constant 0 : i32
      %dma_wait3A_44 = tpu.memref_slice %arg9[%add3A_20, %dma_wait3A_43] : memref<10256x128xf32, #tpu.memory_space<vmem_shared>> -> memref<128x128xf32, #tpu.memory_space<vmem_shared>>
      %dma_wait3A_45 = arith.constant 0 : i32
      %dma_wait3A_46 = tpu.memref_slice %arg9[%add3A_20, %dma_wait3A_45] : memref<10256x128xf32, #tpu.memory_space<vmem_shared>> -> memref<128x128xf32, #tpu.memory_space<vmem_shared>>
      %dma_wait3A_47 = arith.constant 0 : i32
      %dma_wait3A_48 = arith.constant 0 : i32
      %dma_wait3A_49 = tpu.memref_slice %arg8[%dma_wait3A_47, %dma_wait3A_48] : memref<128x128xf32, #tpu.memory_space<vmem>> -> memref<128x128xf32, #tpu.memory_space<vmem>>
      tpu.wait_dma2 semaphore(%run_scoped3A : memref<!tpu.dma_semaphore, #tpu.memory_space<semaphore_mem>>) src(%dma_wait3A_49 : memref<128x128xf32, #tpu.memory_space<vmem>>) dst(%dma_wait3A_46 : memref<128x128xf32, #tpu.memory_space<vmem_shared>>)
      tpu.yield
    }) : () -> ()
    %add3A_21 = arith.constant 640 : i32
    %add3A_22 = arith.addi %mul3A_10, %add3A_21 : i32
    "tpu.region"() ({
      %run_scoped3A = tpu.sem_alloc : memref<!tpu.dma_semaphore, #tpu.memory_space<semaphore_mem>>
      %dma_start3A = arith.constant 0 : i32
      %dma_start3A_32 = arith.constant 0 : i32
      %dma_start3A_33 = tpu.memref_slice %arg8[%dma_start3A, %dma_start3A_32] : memref<128x128xf32, #tpu.memory_space<vmem>> -> memref<1x128xf32, #tpu.memory_space<vmem>>
      %dma_start3A_34 = arith.constant 0 : i32
      %dma_start3A_35 = tpu.memref_slice %arg9[%add3A_22, %dma_start3A_34] : memref<10256x128xf32, #tpu.memory_space<vmem_shared>> -> memref<1x128xf32, #tpu.memory_space<vmem_shared>>
      %dma_start3A_36 = arith.constant 0 : i32
      %dma_start3A_37 = tpu.memref_slice %arg9[%add3A_22, %dma_start3A_36] : memref<10256x128xf32, #tpu.memory_space<vmem_shared>> -> memref<1x128xf32, #tpu.memory_space<vmem_shared>>
      %dma_start3A_38 = arith.constant 0 : i32
      %dma_start3A_39 = arith.constant 0 : i32
      %dma_start3A_40 = tpu.memref_slice %arg8[%dma_start3A_38, %dma_start3A_39] : memref<128x128xf32, #tpu.memory_space<vmem>> -> memref<1x128xf32, #tpu.memory_space<vmem>>
      tpu.enqueue_dma source(%dma_start3A_40 : memref<1x128xf32, #tpu.memory_space<vmem>>) target(%dma_start3A_37 : memref<1x128xf32, #tpu.memory_space<vmem_shared>>) target_semaphore(%run_scoped3A : memref<!tpu.dma_semaphore, #tpu.memory_space<semaphore_mem>>)
      %dma_wait3A = arith.constant 0 : i32
      %dma_wait3A_41 = arith.constant 0 : i32
      %dma_wait3A_42 = tpu.memref_slice %arg8[%dma_wait3A, %dma_wait3A_41] : memref<128x128xf32, #tpu.memory_space<vmem>> -> memref<1x128xf32, #tpu.memory_space<vmem>>
      %dma_wait3A_43 = arith.constant 0 : i32
      %dma_wait3A_44 = tpu.memref_slice %arg9[%add3A_22, %dma_wait3A_43] : memref<10256x128xf32, #tpu.memory_space<vmem_shared>> -> memref<1x128xf32, #tpu.memory_space<vmem_shared>>
      %dma_wait3A_45 = arith.constant 0 : i32
      %dma_wait3A_46 = tpu.memref_slice %arg9[%add3A_22, %dma_wait3A_45] : memref<10256x128xf32, #tpu.memory_space<vmem_shared>> -> memref<1x128xf32, #tpu.memory_space<vmem_shared>>
      %dma_wait3A_47 = arith.constant 0 : i32
      %dma_wait3A_48 = arith.constant 0 : i32
      %dma_wait3A_49 = tpu.memref_slice %arg8[%dma_wait3A_47, %dma_wait3A_48] : memref<128x128xf32, #tpu.memory_space<vmem>> -> memref<1x128xf32, #tpu.memory_space<vmem>>
      tpu.wait_dma2 semaphore(%run_scoped3A : memref<!tpu.dma_semaphore, #tpu.memory_space<semaphore_mem>>) src(%dma_wait3A_49 : memref<1x128xf32, #tpu.memory_space<vmem>>) dst(%dma_wait3A_46 : memref<1x128xf32, #tpu.memory_space<vmem_shared>>)
      tpu.yield
    }) : () -> ()
    %barrier3A = arith.constant 0 : index
    tpu.barrier barrier_id(%barrier3A)
    %scan3A_23 = arith.constant 0 : i32
    %scan3A_24 = arith.constant 0 : i32
    %scan3A_25 = arith.constant 79 : i32
    %scan3A_26 = arith.addi %scan3A_24, %scan3A_25 : i32
    %scan3A_27 = arith.constant 1 : i32
    scf.for %scan3A_32 = %scan3A_24 to %scan3A_26 step %scan3A_27  : i32 {
      %mul3A_33 = arith.constant 128 : i32
      %mul3A_34 = arith.muli %scan3A_32, %mul3A_33 : i32
      %add3A_35 = arith.addi %mul3A_2, %mul3A_34 : i32
      "tpu.region"() ({
        %run_scoped3A = tpu.sem_alloc : memref<!tpu.dma_semaphore, #tpu.memory_space<semaphore_mem>>
        %dma_start3A_40 = tpu.memref_slice %arg3[%add3A_35] : memref<323584xi32, #tpu.memory_space<hbm>> -> memref<128xi32, #tpu.memory_space<hbm>>
        %dma_start3A_41 = tpu.memref_slice %arg3[%add3A_35] : memref<323584xi32, #tpu.memory_space<hbm>> -> memref<128xi32, #tpu.memory_space<hbm>>
        tpu.enqueue_dma source(%dma_start3A_41 : memref<128xi32, #tpu.memory_space<hbm>>) target(%arg6 : memref<128xi32, #tpu.memory_space<vmem>>) target_semaphore(%run_scoped3A : memref<!tpu.dma_semaphore, #tpu.memory_space<semaphore_mem>>)
        %dma_wait3A_42 = tpu.memref_slice %arg3[%add3A_35] : memref<323584xi32, #tpu.memory_space<hbm>> -> memref<128xi32, #tpu.memory_space<hbm>>
        %dma_wait3A_43 = tpu.memref_slice %arg3[%add3A_35] : memref<323584xi32, #tpu.memory_space<hbm>> -> memref<128xi32, #tpu.memory_space<hbm>>
        tpu.wait_dma2 semaphore(%run_scoped3A : memref<!tpu.dma_semaphore, #tpu.memory_space<semaphore_mem>>) src(%dma_wait3A_43 : memref<128xi32, #tpu.memory_space<hbm>>) dst(%arg6 : memref<128xi32, #tpu.memory_space<vmem>>)
        tpu.yield
      }) : () -> ()
      "tpu.region"() ({
        %run_scoped3A = tpu.sem_alloc : memref<!tpu.dma_semaphore, #tpu.memory_space<semaphore_mem>>
        %dma_start3A_40 = tpu.memref_slice %arg4[%add3A_35] : memref<323584xi32, #tpu.memory_space<hbm>> -> memref<128xi32, #tpu.memory_space<hbm>>
        %dma_start3A_41 = tpu.memref_slice %arg4[%add3A_35] : memref<323584xi32, #tpu.memory_space<hbm>> -> memref<128xi32, #tpu.memory_space<hbm>>
        tpu.enqueue_dma source(%dma_start3A_41 : memref<128xi32, #tpu.memory_space<hbm>>) target(%arg7 : memref<128xi32, #tpu.memory_space<vmem>>) target_semaphore(%run_scoped3A : memref<!tpu.dma_semaphore, #tpu.memory_space<semaphore_mem>>)
        %dma_wait3A_42 = tpu.memref_slice %arg4[%add3A_35] : memref<323584xi32, #tpu.memory_space<hbm>> -> memref<128xi32, #tpu.memory_space<hbm>>
        %dma_wait3A_43 = tpu.memref_slice %arg4[%add3A_35] : memref<323584xi32, #tpu.memory_space<hbm>> -> memref<128xi32, #tpu.memory_space<hbm>>
        tpu.wait_dma2 semaphore(%run_scoped3A : memref<!tpu.dma_semaphore, #tpu.memory_space<semaphore_mem>>) src(%dma_wait3A_43 : memref<128xi32, #tpu.memory_space<hbm>>) dst(%arg7 : memref<128xi32, #tpu.memory_space<vmem>>)
        tpu.yield
      }) : () -> ()
      %dma_start3A = arith.constant 0 : i32
      %dma_start3A_36 = arith.constant 0 : i32
      %dma_start3A_37 = tpu.memref_slice %arg2[%dma_start3A, %dma_start3A_36] : memref<10240x128xf32, #tpu.memory_space<hbm>> -> memref<10240x128xf32, #tpu.memory_space<hbm>>
      tpu.enqueue_indirect_dma source(%dma_start3A_37 : memref<10240x128xf32, #tpu.memory_space<hbm>>) target(%arg8 : memref<128x128xf32, #tpu.memory_space<vmem>>) offsets(%arg6 : memref<128xi32, #tpu.memory_space<vmem>>) semaphore(%arg10 : memref<!tpu.dma_semaphore, #tpu.memory_space<semaphore_mem>>)
      %dma_wait3A = arith.constant 0 : i32
      %dma_wait3A_38 = arith.constant 0 : i32
      %dma_wait3A_39 = tpu.memref_slice %arg2[%dma_wait3A, %dma_wait3A_38] : memref<10240x128xf32, #tpu.memory_space<hbm>> -> memref<10240x128xf32, #tpu.memory_space<hbm>>
      tpu.wait_indirect_dma semaphore(%arg10 : memref<!tpu.dma_semaphore, #tpu.memory_space<semaphore_mem>>) src(%dma_wait3A_39 : memref<10240x128xf32, #tpu.memory_space<hbm>>) dst(%arg8 : memref<128x128xf32, #tpu.memory_space<vmem>>)
      "tpu.region"() ({
        %run_scoped3A = tpu.sem_alloc : memref<!tpu.dma_semaphore, #tpu.memory_space<semaphore_mem>>
        %dma_start3A_40 = arith.constant 0 : i32
        %dma_start3A_41 = arith.constant 0 : i32
        %dma_start3A_42 = tpu.memref_slice %arg9[%dma_start3A_40, %dma_start3A_41] : memref<10256x128xf32, #tpu.memory_space<vmem_shared>> -> memref<10256x128xf32, #tpu.memory_space<vmem_shared>>
        tpu.enqueue_indirect_dma source(%arg8 : memref<128x128xf32, #tpu.memory_space<vmem>>) target(%dma_start3A_42 : memref<10256x128xf32, #tpu.memory_space<vmem_shared>>) offsets(%arg7 : memref<128xi32, #tpu.memory_space<vmem>>) semaphore(%run_scoped3A : memref<!tpu.dma_semaphore, #tpu.memory_space<semaphore_mem>>) {add = true}
        %dma_wait3A_43 = arith.constant 0 : i32
        %dma_wait3A_44 = arith.constant 0 : i32
        %dma_wait3A_45 = tpu.memref_slice %arg9[%dma_wait3A_43, %dma_wait3A_44] : memref<10256x128xf32, #tpu.memory_space<vmem_shared>> -> memref<10256x128xf32, #tpu.memory_space<vmem_shared>>
        tpu.wait_indirect_dma semaphore(%run_scoped3A : memref<!tpu.dma_semaphore, #tpu.memory_space<semaphore_mem>>) src(%arg8 : memref<128x128xf32, #tpu.memory_space<vmem>>) dst(%dma_wait3A_45 : memref<10256x128xf32, #tpu.memory_space<vmem_shared>>)
        tpu.yield
      }) : () -> ()
    }
    %scan3A_28 = arith.constant 79 : i32
    %barrier3A_29 = arith.constant 0 : index
    tpu.barrier barrier_id(%barrier3A_29)
    %mul3A_30 = arith.constant 640 : i32
    %mul3A_31 = arith.muli %arg1, %mul3A_30 : i32
    "tpu.region"() ({
      %run_scoped3A = tpu.sem_alloc : memref<!tpu.dma_semaphore, #tpu.memory_space<semaphore_mem>>
      %dma_start3A = arith.constant 0 : i32
      %dma_start3A_32 = tpu.memref_slice %arg5[%arg0, %mul3A_31, %dma_start3A] : memref<2x10240x128xf32, #tpu.memory_space<hbm>> -> memref<1x640x128xf32, #tpu.memory_space<hbm>>
      %dma_start3A_33 = tpu.memref_squeeze %dma_start3A_32 : memref<1x640x128xf32, #tpu.memory_space<hbm>> -> memref<640x128xf32, #tpu.memory_space<hbm>>
      %dma_start3A_34 = arith.constant 0 : i32
      %dma_start3A_35 = tpu.memref_slice %arg9[%mul3A_31, %dma_start3A_34] : memref<10256x128xf32, #tpu.memory_space<vmem_shared>> -> memref<640x128xf32, #tpu.memory_space<vmem_shared>>
      tpu.enqueue_dma source(%dma_start3A_35 : memref<640x128xf32, #tpu.memory_space<vmem_shared>>) target(%dma_start3A_33 : memref<640x128xf32, #tpu.memory_space<hbm>>) target_semaphore(%run_scoped3A : memref<!tpu.dma_semaphore, #tpu.memory_space<semaphore_mem>>)
      %dma_wait3A = arith.constant 0 : i32
      %dma_wait3A_36 = tpu.memref_slice %arg5[%arg0, %mul3A_31, %dma_wait3A] : memref<2x10240x128xf32, #tpu.memory_space<hbm>> -> memref<1x640x128xf32, #tpu.memory_space<hbm>>
      %dma_wait3A_37 = tpu.memref_squeeze %dma_wait3A_36 : memref<1x640x128xf32, #tpu.memory_space<hbm>> -> memref<640x128xf32, #tpu.memory_space<hbm>>
      %dma_wait3A_38 = arith.constant 0 : i32
      %dma_wait3A_39 = tpu.memref_slice %arg9[%mul3A_31, %dma_wait3A_38] : memref<10256x128xf32, #tpu.memory_space<vmem_shared>> -> memref<640x128xf32, #tpu.memory_space<vmem_shared>>
      tpu.wait_dma2 semaphore(%run_scoped3A : memref<!tpu.dma_semaphore, #tpu.memory_space<semaphore_mem>>) src(%dma_wait3A_39 : memref<640x128xf32, #tpu.memory_space<vmem_shared>>) dst(%dma_wait3A_37 : memref<640x128xf32, #tpu.memory_space<hbm>>)
      tpu.yield
    }) : () -> ()
    return
  }
}

#map = affine_map<(d0, d1) -> (0, 0)>
#map1 = affine_map<(d0, d1) -> (0)>
#map2 = affine_map<(d0, d1) -> (0, 0, 0)>
module attributes {stable_mosaic.version = 14 : i64} {
  func.func @sc_aggregate(%arg0: i32, %arg1: i32, %arg2: memref<10240x128xf32, #tpu.memory_space<hbm>>, %arg3: memref<323584xi32, #tpu.memory_space<hbm>>, %arg4: memref<323584xi32, #tpu.memory_space<hbm>>, %arg5: memref<2x10240x128xf32, #tpu.memory_space<hbm>>, %arg6: memref<128xi32, #tpu.memory_space<vmem>>, %arg7: memref<128xi32, #tpu.memory_space<vmem>>, %arg8: memref<128x128xf32, #tpu.memory_space<vmem>>, %arg9: memref<10256x128xf32, #tpu.memory_space<vmem_shared>>, %arg10: memref<!tpu.dma_semaphore, #tpu.memory_space<semaphore_mem>>) attributes {dimension_semantics = [#tpu.dimension_semantics<core_parallel>, #tpu.dimension_semantics<subcore_parallel>], iteration_bounds = array<i64: 2, 16>, scalar_prefetch = 0 : i64, scratch_operands = 5 : i64, tpu.core_type = #tpu.core_type<sc_vector_subcore>, window_params = [{transform_indices = #map}, {transform_indices = #map1}, {transform_indices = #map1}, {transform_indices = #map2}]} {
    %mul3A = arith.constant 16 : i32
    %mul3A_0 = arith.muli %arg0, %mul3A : i32
    %add3A = arith.addi %mul3A_0, %arg1 : i32
    %mul3A_1 = arith.constant 10112 : i32
    %mul3A_2 = arith.muli %add3A, %mul3A_1 : i32
    %broadcast_in_dim3A = arith.constant 0.000000e+00 : f32
    %broadcast_in_dim3A_3 = vector.broadcast %broadcast_in_dim3A : f32 to vector<16xf32>
    %scan3A = arith.constant 0 : i32
    %scan3A_4 = arith.constant 0 : i32
    %scan3A_5 = arith.constant 128 : i32
    %scan3A_6 = arith.addi %scan3A_4, %scan3A_5 : i32
    %scan3A_7 = arith.constant 1 : i32
    scf.for %scan3A_32 = %scan3A_4 to %scan3A_6 step %scan3A_7  : i32 {
      %swap3A = arith.index_cast %scan3A_32 : i32 to index
      %swap3A_33 = arith.constant 0 : index
      %swap3A_34 = tpu.vector_load %arg8[%swap3A, %swap3A_33] {strides = array<i32>} : memref<128x128xf32, #tpu.memory_space<vmem>>, vector<1x16xf32>,
      %swap3A_35 = vector.shape_cast %swap3A_34 : vector<1x16xf32> to vector<16xf32>
      %swap3A_36 = vector.shape_cast %broadcast_in_dim3A_3 : vector<16xf32> to vector<1x16xf32>
      tpu.vector_store %arg8[%swap3A, %swap3A_33], %swap3A_36 {strides = array<i32>} : memref<128x128xf32, #tpu.memory_space<vmem>>, vector<1x16xf32>,
      %swap3A_37 = arith.index_cast %scan3A_32 : i32 to index
      %swap3A_38 = arith.constant 16 : index
      %swap3A_39 = tpu.vector_load %arg8[%swap3A_37, %swap3A_38] {strides = array<i32>} : memref<128x128xf32, #tpu.memory_space<vmem>>, vector<1x16xf32>,
      %swap3A_40 = vector.shape_cast %swap3A_39 : vector<1x16xf32> to vector<16xf32>
      %swap3A_41 = vector.shape_cast %broadcast_in_dim3A_3 : vector<16xf32> to vector<1x16xf32>
      tpu.vector_store %arg8[%swap3A_37, %swap3A_38], %swap3A_41 {strides = array<i32>} : memref<128x128xf32, #tpu.memory_space<vmem>>, vector<1x16xf32>,
      %swap3A_42 = arith.index_cast %scan3A_32 : i32 to index
      %swap3A_43 = arith.constant 32 : index
      %swap3A_44 = tpu.vector_load %arg8[%swap3A_42, %swap3A_43] {strides = array<i32>} : memref<128x128xf32, #tpu.memory_space<vmem>>, vector<1x16xf32>,
      %swap3A_45 = vector.shape_cast %swap3A_44 : vector<1x16xf32> to vector<16xf32>
      %swap3A_46 = vector.shape_cast %broadcast_in_dim3A_3 : vector<16xf32> to vector<1x16xf32>
      tpu.vector_store %arg8[%swap3A_42, %swap3A_43], %swap3A_46 {strides = array<i32>} : memref<128x128xf32, #tpu.memory_space<vmem>>, vector<1x16xf32>,
      %swap3A_47 = arith.index_cast %scan3A_32 : i32 to index
      %swap3A_48 = arith.constant 48 : index
      %swap3A_49 = tpu.vector_load %arg8[%swap3A_47, %swap3A_48] {strides = array<i32>} : memref<128x128xf32, #tpu.memory_space<vmem>>, vector<1x16xf32>,
      %swap3A_50 = vector.shape_cast %swap3A_49 : vector<1x16xf32> to vector<16xf32>
      %swap3A_51 = vector.shape_cast %broadcast_in_dim3A_3 : vector<16xf32> to vector<1x16xf32>
      tpu.vector_store %arg8[%swap3A_47, %swap3A_48], %swap3A_51 {strides = array<i32>} : memref<128x128xf32, #tpu.memory_space<vmem>>, vector<1x16xf32>,
      %swap3A_52 = arith.index_cast %scan3A_32 : i32 to index
      %swap3A_53 = arith.constant 64 : index
      %swap3A_54 = tpu.vector_load %arg8[%swap3A_52, %swap3A_53] {strides = array<i32>} : memref<128x128xf32, #tpu.memory_space<vmem>>, vector<1x16xf32>,
      %swap3A_55 = vector.shape_cast %swap3A_54 : vector<1x16xf32> to vector<16xf32>
      %swap3A_56 = vector.shape_cast %broadcast_in_dim3A_3 : vector<16xf32> to vector<1x16xf32>
      tpu.vector_store %arg8[%swap3A_52, %swap3A_53], %swap3A_56 {strides = array<i32>} : memref<128x128xf32, #tpu.memory_space<vmem>>, vector<1x16xf32>,
      %swap3A_57 = arith.index_cast %scan3A_32 : i32 to index
      %swap3A_58 = arith.constant 80 : index
      %swap3A_59 = tpu.vector_load %arg8[%swap3A_57, %swap3A_58] {strides = array<i32>} : memref<128x128xf32, #tpu.memory_space<vmem>>, vector<1x16xf32>,
      %swap3A_60 = vector.shape_cast %swap3A_59 : vector<1x16xf32> to vector<16xf32>
      %swap3A_61 = vector.shape_cast %broadcast_in_dim3A_3 : vector<16xf32> to vector<1x16xf32>
      tpu.vector_store %arg8[%swap3A_57, %swap3A_58], %swap3A_61 {strides = array<i32>} : memref<128x128xf32, #tpu.memory_space<vmem>>, vector<1x16xf32>,
      %swap3A_62 = arith.index_cast %scan3A_32 : i32 to index
      %swap3A_63 = arith.constant 96 : index
      %swap3A_64 = tpu.vector_load %arg8[%swap3A_62, %swap3A_63] {strides = array<i32>} : memref<128x128xf32, #tpu.memory_space<vmem>>, vector<1x16xf32>,
      %swap3A_65 = vector.shape_cast %swap3A_64 : vector<1x16xf32> to vector<16xf32>
      %swap3A_66 = vector.shape_cast %broadcast_in_dim3A_3 : vector<16xf32> to vector<1x16xf32>
      tpu.vector_store %arg8[%swap3A_62, %swap3A_63], %swap3A_66 {strides = array<i32>} : memref<128x128xf32, #tpu.memory_space<vmem>>, vector<1x16xf32>,
      %swap3A_67 = arith.index_cast %scan3A_32 : i32 to index
      %swap3A_68 = arith.constant 112 : index
      %swap3A_69 = tpu.vector_load %arg8[%swap3A_67, %swap3A_68] {strides = array<i32>} : memref<128x128xf32, #tpu.memory_space<vmem>>, vector<1x16xf32>,
      %swap3A_70 = vector.shape_cast %swap3A_69 : vector<1x16xf32> to vector<16xf32>
      %swap3A_71 = vector.shape_cast %broadcast_in_dim3A_3 : vector<16xf32> to vector<1x16xf32>
      tpu.vector_store %arg8[%swap3A_67, %swap3A_68], %swap3A_71 {strides = array<i32>} : memref<128x128xf32, #tpu.memory_space<vmem>>, vector<1x16xf32>,
    }
    %scan3A_8 = arith.constant 128 : i32
    %mul3A_9 = arith.constant 641 : i32
    %mul3A_10 = arith.muli %arg1, %mul3A_9 : i32
    %add3A_11 = arith.constant 0 : i32
    %add3A_12 = arith.addi %mul3A_10, %add3A_11 : i32
    "tpu.region"() ({
      %run_scoped3A = tpu.sem_alloc : memref<!tpu.dma_semaphore, #tpu.memory_space<semaphore_mem>>
      %dma_start3A = arith.constant 0 : i32
      %dma_start3A_32 = arith.constant 0 : i32
      %dma_start3A_33 = tpu.memref_slice %arg8[%dma_start3A, %dma_start3A_32] : memref<128x128xf32, #tpu.memory_space<vmem>> -> memref<128x128xf32, #tpu.memory_space<vmem>>
      %dma_start3A_34 = arith.constant 0 : i32
      %dma_start3A_35 = tpu.memref_slice %arg9[%add3A_12, %dma_start3A_34] : memref<10256x128xf32, #tpu.memory_space<vmem_shared>> -> memref<128x128xf32, #tpu.memory_space<vmem_shared>>
      %dma_start3A_36 = arith.constant 0 : i32
      %dma_start3A_37 = tpu.memref_slice %arg9[%add3A_12, %dma_start3A_36] : memref<10256x128xf32, #tpu.memory_space<vmem_shared>> -> memref<128x128xf32, #tpu.memory_space<vmem_shared>>
      %dma_start3A_38 = arith.constant 0 : i32
      %dma_start3A_39 = arith.constant 0 : i32
      %dma_start3A_40 = tpu.memref_slice %arg8[%dma_start3A_38, %dma_start3A_39] : memref<128x128xf32, #tpu.memory_space<vmem>> -> memref<128x128xf32, #tpu.memory_space<vmem>>
      tpu.enqueue_dma source(%dma_start3A_40 : memref<128x128xf32, #tpu.memory_space<vmem>>) target(%dma_start3A_37 : memref<128x128xf32, #tpu.memory_space<vmem_shared>>) target_semaphore(%run_scoped3A : memref<!tpu.dma_semaphore, #tpu.memory_space<semaphore_mem>>)
      %dma_wait3A = arith.constant 0 : i32
      %dma_wait3A_41 = arith.constant 0 : i32
      %dma_wait3A_42 = tpu.memref_slice %arg8[%dma_wait3A, %dma_wait3A_41] : memref<128x128xf32, #tpu.memory_space<vmem>> -> memref<128x128xf32, #tpu.memory_space<vmem>>
      %dma_wait3A_43 = arith.constant 0 : i32
      %dma_wait3A_44 = tpu.memref_slice %arg9[%add3A_12, %dma_wait3A_43] : memref<10256x128xf32, #tpu.memory_space<vmem_shared>> -> memref<128x128xf32, #tpu.memory_space<vmem_shared>>
      %dma_wait3A_45 = arith.constant 0 : i32
      %dma_wait3A_46 = tpu.memref_slice %arg9[%add3A_12, %dma_wait3A_45] : memref<10256x128xf32, #tpu.memory_space<vmem_shared>> -> memref<128x128xf32, #tpu.memory_space<vmem_shared>>
      %dma_wait3A_47 = arith.constant 0 : i32
      %dma_wait3A_48 = arith.constant 0 : i32
      %dma_wait3A_49 = tpu.memref_slice %arg8[%dma_wait3A_47, %dma_wait3A_48] : memref<128x128xf32, #tpu.memory_space<vmem>> -> memref<128x128xf32, #tpu.memory_space<vmem>>
      tpu.wait_dma2 semaphore(%run_scoped3A : memref<!tpu.dma_semaphore, #tpu.memory_space<semaphore_mem>>) src(%dma_wait3A_49 : memref<128x128xf32, #tpu.memory_space<vmem>>) dst(%dma_wait3A_46 : memref<128x128xf32, #tpu.memory_space<vmem_shared>>)
      tpu.yield
    }) : () -> ()
    %add3A_13 = arith.constant 128 : i32
    %add3A_14 = arith.addi %mul3A_10, %add3A_13 : i32
    "tpu.region"() ({
      %run_scoped3A = tpu.sem_alloc : memref<!tpu.dma_semaphore, #tpu.memory_space<semaphore_mem>>
      %dma_start3A = arith.constant 0 : i32
      %dma_start3A_32 = arith.constant 0 : i32
      %dma_start3A_33 = tpu.memref_slice %arg8[%dma_start3A, %dma_start3A_32] : memref<128x128xf32, #tpu.memory_space<vmem>> -> memref<128x128xf32, #tpu.memory_space<vmem>>
      %dma_start3A_34 = arith.constant 0 : i32
      %dma_start3A_35 = tpu.memref_slice %arg9[%add3A_14, %dma_start3A_34] : memref<10256x128xf32, #tpu.memory_space<vmem_shared>> -> memref<128x128xf32, #tpu.memory_space<vmem_shared>>
      %dma_start3A_36 = arith.constant 0 : i32
      %dma_start3A_37 = tpu.memref_slice %arg9[%add3A_14, %dma_start3A_36] : memref<10256x128xf32, #tpu.memory_space<vmem_shared>> -> memref<128x128xf32, #tpu.memory_space<vmem_shared>>
      %dma_start3A_38 = arith.constant 0 : i32
      %dma_start3A_39 = arith.constant 0 : i32
      %dma_start3A_40 = tpu.memref_slice %arg8[%dma_start3A_38, %dma_start3A_39] : memref<128x128xf32, #tpu.memory_space<vmem>> -> memref<128x128xf32, #tpu.memory_space<vmem>>
      tpu.enqueue_dma source(%dma_start3A_40 : memref<128x128xf32, #tpu.memory_space<vmem>>) target(%dma_start3A_37 : memref<128x128xf32, #tpu.memory_space<vmem_shared>>) target_semaphore(%run_scoped3A : memref<!tpu.dma_semaphore, #tpu.memory_space<semaphore_mem>>)
      %dma_wait3A = arith.constant 0 : i32
      %dma_wait3A_41 = arith.constant 0 : i32
      %dma_wait3A_42 = tpu.memref_slice %arg8[%dma_wait3A, %dma_wait3A_41] : memref<128x128xf32, #tpu.memory_space<vmem>> -> memref<128x128xf32, #tpu.memory_space<vmem>>
      %dma_wait3A_43 = arith.constant 0 : i32
      %dma_wait3A_44 = tpu.memref_slice %arg9[%add3A_14, %dma_wait3A_43] : memref<10256x128xf32, #tpu.memory_space<vmem_shared>> -> memref<128x128xf32, #tpu.memory_space<vmem_shared>>
      %dma_wait3A_45 = arith.constant 0 : i32
      %dma_wait3A_46 = tpu.memref_slice %arg9[%add3A_14, %dma_wait3A_45] : memref<10256x128xf32, #tpu.memory_space<vmem_shared>> -> memref<128x128xf32, #tpu.memory_space<vmem_shared>>
      %dma_wait3A_47 = arith.constant 0 : i32
      %dma_wait3A_48 = arith.constant 0 : i32
      %dma_wait3A_49 = tpu.memref_slice %arg8[%dma_wait3A_47, %dma_wait3A_48] : memref<128x128xf32, #tpu.memory_space<vmem>> -> memref<128x128xf32, #tpu.memory_space<vmem>>
      tpu.wait_dma2 semaphore(%run_scoped3A : memref<!tpu.dma_semaphore, #tpu.memory_space<semaphore_mem>>) src(%dma_wait3A_49 : memref<128x128xf32, #tpu.memory_space<vmem>>) dst(%dma_wait3A_46 : memref<128x128xf32, #tpu.memory_space<vmem_shared>>)
      tpu.yield
    }) : () -> ()
    %add3A_15 = arith.constant 256 : i32
    %add3A_16 = arith.addi %mul3A_10, %add3A_15 : i32
    "tpu.region"() ({
      %run_scoped3A = tpu.sem_alloc : memref<!tpu.dma_semaphore, #tpu.memory_space<semaphore_mem>>
      %dma_start3A = arith.constant 0 : i32
      %dma_start3A_32 = arith.constant 0 : i32
      %dma_start3A_33 = tpu.memref_slice %arg8[%dma_start3A, %dma_start3A_32] : memref<128x128xf32, #tpu.memory_space<vmem>> -> memref<128x128xf32, #tpu.memory_space<vmem>>
      %dma_start3A_34 = arith.constant 0 : i32
      %dma_start3A_35 = tpu.memref_slice %arg9[%add3A_16, %dma_start3A_34] : memref<10256x128xf32, #tpu.memory_space<vmem_shared>> -> memref<128x128xf32, #tpu.memory_space<vmem_shared>>
      %dma_start3A_36 = arith.constant 0 : i32
      %dma_start3A_37 = tpu.memref_slice %arg9[%add3A_16, %dma_start3A_36] : memref<10256x128xf32, #tpu.memory_space<vmem_shared>> -> memref<128x128xf32, #tpu.memory_space<vmem_shared>>
      %dma_start3A_38 = arith.constant 0 : i32
      %dma_start3A_39 = arith.constant 0 : i32
      %dma_start3A_40 = tpu.memref_slice %arg8[%dma_start3A_38, %dma_start3A_39] : memref<128x128xf32, #tpu.memory_space<vmem>> -> memref<128x128xf32, #tpu.memory_space<vmem>>
      tpu.enqueue_dma source(%dma_start3A_40 : memref<128x128xf32, #tpu.memory_space<vmem>>) target(%dma_start3A_37 : memref<128x128xf32, #tpu.memory_space<vmem_shared>>) target_semaphore(%run_scoped3A : memref<!tpu.dma_semaphore, #tpu.memory_space<semaphore_mem>>)
      %dma_wait3A = arith.constant 0 : i32
      %dma_wait3A_41 = arith.constant 0 : i32
      %dma_wait3A_42 = tpu.memref_slice %arg8[%dma_wait3A, %dma_wait3A_41] : memref<128x128xf32, #tpu.memory_space<vmem>> -> memref<128x128xf32, #tpu.memory_space<vmem>>
      %dma_wait3A_43 = arith.constant 0 : i32
      %dma_wait3A_44 = tpu.memref_slice %arg9[%add3A_16, %dma_wait3A_43] : memref<10256x128xf32, #tpu.memory_space<vmem_shared>> -> memref<128x128xf32, #tpu.memory_space<vmem_shared>>
      %dma_wait3A_45 = arith.constant 0 : i32
      %dma_wait3A_46 = tpu.memref_slice %arg9[%add3A_16, %dma_wait3A_45] : memref<10256x128xf32, #tpu.memory_space<vmem_shared>> -> memref<128x128xf32, #tpu.memory_space<vmem_shared>>
      %dma_wait3A_47 = arith.constant 0 : i32
      %dma_wait3A_48 = arith.constant 0 : i32
      %dma_wait3A_49 = tpu.memref_slice %arg8[%dma_wait3A_47, %dma_wait3A_48] : memref<128x128xf32, #tpu.memory_space<vmem>> -> memref<128x128xf32, #tpu.memory_space<vmem>>
      tpu.wait_dma2 semaphore(%run_scoped3A : memref<!tpu.dma_semaphore, #tpu.memory_space<semaphore_mem>>) src(%dma_wait3A_49 : memref<128x128xf32, #tpu.memory_space<vmem>>) dst(%dma_wait3A_46 : memref<128x128xf32, #tpu.memory_space<vmem_shared>>)
      tpu.yield
    }) : () -> ()
    %add3A_17 = arith.constant 384 : i32
    %add3A_18 = arith.addi %mul3A_10, %add3A_17 : i32
    "tpu.region"() ({
      %run_scoped3A = tpu.sem_alloc : memref<!tpu.dma_semaphore, #tpu.memory_space<semaphore_mem>>
      %dma_start3A = arith.constant 0 : i32
      %dma_start3A_32 = arith.constant 0 : i32
      %dma_start3A_33 = tpu.memref_slice %arg8[%dma_start3A, %dma_start3A_32] : memref<128x128xf32, #tpu.memory_space<vmem>> -> memref<128x128xf32, #tpu.memory_space<vmem>>
      %dma_start3A_34 = arith.constant 0 : i32
      %dma_start3A_35 = tpu.memref_slice %arg9[%add3A_18, %dma_start3A_34] : memref<10256x128xf32, #tpu.memory_space<vmem_shared>> -> memref<128x128xf32, #tpu.memory_space<vmem_shared>>
      %dma_start3A_36 = arith.constant 0 : i32
      %dma_start3A_37 = tpu.memref_slice %arg9[%add3A_18, %dma_start3A_36] : memref<10256x128xf32, #tpu.memory_space<vmem_shared>> -> memref<128x128xf32, #tpu.memory_space<vmem_shared>>
      %dma_start3A_38 = arith.constant 0 : i32
      %dma_start3A_39 = arith.constant 0 : i32
      %dma_start3A_40 = tpu.memref_slice %arg8[%dma_start3A_38, %dma_start3A_39] : memref<128x128xf32, #tpu.memory_space<vmem>> -> memref<128x128xf32, #tpu.memory_space<vmem>>
      tpu.enqueue_dma source(%dma_start3A_40 : memref<128x128xf32, #tpu.memory_space<vmem>>) target(%dma_start3A_37 : memref<128x128xf32, #tpu.memory_space<vmem_shared>>) target_semaphore(%run_scoped3A : memref<!tpu.dma_semaphore, #tpu.memory_space<semaphore_mem>>)
      %dma_wait3A = arith.constant 0 : i32
      %dma_wait3A_41 = arith.constant 0 : i32
      %dma_wait3A_42 = tpu.memref_slice %arg8[%dma_wait3A, %dma_wait3A_41] : memref<128x128xf32, #tpu.memory_space<vmem>> -> memref<128x128xf32, #tpu.memory_space<vmem>>
      %dma_wait3A_43 = arith.constant 0 : i32
      %dma_wait3A_44 = tpu.memref_slice %arg9[%add3A_18, %dma_wait3A_43] : memref<10256x128xf32, #tpu.memory_space<vmem_shared>> -> memref<128x128xf32, #tpu.memory_space<vmem_shared>>
      %dma_wait3A_45 = arith.constant 0 : i32
      %dma_wait3A_46 = tpu.memref_slice %arg9[%add3A_18, %dma_wait3A_45] : memref<10256x128xf32, #tpu.memory_space<vmem_shared>> -> memref<128x128xf32, #tpu.memory_space<vmem_shared>>
      %dma_wait3A_47 = arith.constant 0 : i32
      %dma_wait3A_48 = arith.constant 0 : i32
      %dma_wait3A_49 = tpu.memref_slice %arg8[%dma_wait3A_47, %dma_wait3A_48] : memref<128x128xf32, #tpu.memory_space<vmem>> -> memref<128x128xf32, #tpu.memory_space<vmem>>
      tpu.wait_dma2 semaphore(%run_scoped3A : memref<!tpu.dma_semaphore, #tpu.memory_space<semaphore_mem>>) src(%dma_wait3A_49 : memref<128x128xf32, #tpu.memory_space<vmem>>) dst(%dma_wait3A_46 : memref<128x128xf32, #tpu.memory_space<vmem_shared>>)
      tpu.yield
    }) : () -> ()
    %add3A_19 = arith.constant 512 : i32
    %add3A_20 = arith.addi %mul3A_10, %add3A_19 : i32
    "tpu.region"() ({
      %run_scoped3A = tpu.sem_alloc : memref<!tpu.dma_semaphore, #tpu.memory_space<semaphore_mem>>
      %dma_start3A = arith.constant 0 : i32
      %dma_start3A_32 = arith.constant 0 : i32
      %dma_start3A_33 = tpu.memref_slice %arg8[%dma_start3A, %dma_start3A_32] : memref<128x128xf32, #tpu.memory_space<vmem>> -> memref<128x128xf32, #tpu.memory_space<vmem>>
      %dma_start3A_34 = arith.constant 0 : i32
      %dma_start3A_35 = tpu.memref_slice %arg9[%add3A_20, %dma_start3A_34] : memref<10256x128xf32, #tpu.memory_space<vmem_shared>> -> memref<128x128xf32, #tpu.memory_space<vmem_shared>>
      %dma_start3A_36 = arith.constant 0 : i32
      %dma_start3A_37 = tpu.memref_slice %arg9[%add3A_20, %dma_start3A_36] : memref<10256x128xf32, #tpu.memory_space<vmem_shared>> -> memref<128x128xf32, #tpu.memory_space<vmem_shared>>
      %dma_start3A_38 = arith.constant 0 : i32
      %dma_start3A_39 = arith.constant 0 : i32
      %dma_start3A_40 = tpu.memref_slice %arg8[%dma_start3A_38, %dma_start3A_39] : memref<128x128xf32, #tpu.memory_space<vmem>> -> memref<128x128xf32, #tpu.memory_space<vmem>>
      tpu.enqueue_dma source(%dma_start3A_40 : memref<128x128xf32, #tpu.memory_space<vmem>>) target(%dma_start3A_37 : memref<128x128xf32, #tpu.memory_space<vmem_shared>>) target_semaphore(%run_scoped3A : memref<!tpu.dma_semaphore, #tpu.memory_space<semaphore_mem>>)
      %dma_wait3A = arith.constant 0 : i32
      %dma_wait3A_41 = arith.constant 0 : i32
      %dma_wait3A_42 = tpu.memref_slice %arg8[%dma_wait3A, %dma_wait3A_41] : memref<128x128xf32, #tpu.memory_space<vmem>> -> memref<128x128xf32, #tpu.memory_space<vmem>>
      %dma_wait3A_43 = arith.constant 0 : i32
      %dma_wait3A_44 = tpu.memref_slice %arg9[%add3A_20, %dma_wait3A_43] : memref<10256x128xf32, #tpu.memory_space<vmem_shared>> -> memref<128x128xf32, #tpu.memory_space<vmem_shared>>
      %dma_wait3A_45 = arith.constant 0 : i32
      %dma_wait3A_46 = tpu.memref_slice %arg9[%add3A_20, %dma_wait3A_45] : memref<10256x128xf32, #tpu.memory_space<vmem_shared>> -> memref<128x128xf32, #tpu.memory_space<vmem_shared>>
      %dma_wait3A_47 = arith.constant 0 : i32
      %dma_wait3A_48 = arith.constant 0 : i32
      %dma_wait3A_49 = tpu.memref_slice %arg8[%dma_wait3A_47, %dma_wait3A_48] : memref<128x128xf32, #tpu.memory_space<vmem>> -> memref<128x128xf32, #tpu.memory_space<vmem>>
      tpu.wait_dma2 semaphore(%run_scoped3A : memref<!tpu.dma_semaphore, #tpu.memory_space<semaphore_mem>>) src(%dma_wait3A_49 : memref<128x128xf32, #tpu.memory_space<vmem>>) dst(%dma_wait3A_46 : memref<128x128xf32, #tpu.memory_space<vmem_shared>>)
      tpu.yield
    }) : () -> ()
    %add3A_21 = arith.constant 640 : i32
    %add3A_22 = arith.addi %mul3A_10, %add3A_21 : i32
    "tpu.region"() ({
      %run_scoped3A = tpu.sem_alloc : memref<!tpu.dma_semaphore, #tpu.memory_space<semaphore_mem>>
      %dma_start3A = arith.constant 0 : i32
      %dma_start3A_32 = arith.constant 0 : i32
      %dma_start3A_33 = tpu.memref_slice %arg8[%dma_start3A, %dma_start3A_32] : memref<128x128xf32, #tpu.memory_space<vmem>> -> memref<1x128xf32, #tpu.memory_space<vmem>>
      %dma_start3A_34 = arith.constant 0 : i32
      %dma_start3A_35 = tpu.memref_slice %arg9[%add3A_22, %dma_start3A_34] : memref<10256x128xf32, #tpu.memory_space<vmem_shared>> -> memref<1x128xf32, #tpu.memory_space<vmem_shared>>
      %dma_start3A_36 = arith.constant 0 : i32
      %dma_start3A_37 = tpu.memref_slice %arg9[%add3A_22, %dma_start3A_36] : memref<10256x128xf32, #tpu.memory_space<vmem_shared>> -> memref<1x128xf32, #tpu.memory_space<vmem_shared>>
      %dma_start3A_38 = arith.constant 0 : i32
      %dma_start3A_39 = arith.constant 0 : i32
      %dma_start3A_40 = tpu.memref_slice %arg8[%dma_start3A_38, %dma_start3A_39] : memref<128x128xf32, #tpu.memory_space<vmem>> -> memref<1x128xf32, #tpu.memory_space<vmem>>
      tpu.enqueue_dma source(%dma_start3A_40 : memref<1x128xf32, #tpu.memory_space<vmem>>) target(%dma_start3A_37 : memref<1x128xf32, #tpu.memory_space<vmem_shared>>) target_semaphore(%run_scoped3A : memref<!tpu.dma_semaphore, #tpu.memory_space<semaphore_mem>>)
      %dma_wait3A = arith.constant 0 : i32
      %dma_wait3A_41 = arith.constant 0 : i32
      %dma_wait3A_42 = tpu.memref_slice %arg8[%dma_wait3A, %dma_wait3A_41] : memref<128x128xf32, #tpu.memory_space<vmem>> -> memref<1x128xf32, #tpu.memory_space<vmem>>
      %dma_wait3A_43 = arith.constant 0 : i32
      %dma_wait3A_44 = tpu.memref_slice %arg9[%add3A_22, %dma_wait3A_43] : memref<10256x128xf32, #tpu.memory_space<vmem_shared>> -> memref<1x128xf32, #tpu.memory_space<vmem_shared>>
      %dma_wait3A_45 = arith.constant 0 : i32
      %dma_wait3A_46 = tpu.memref_slice %arg9[%add3A_22, %dma_wait3A_45] : memref<10256x128xf32, #tpu.memory_space<vmem_shared>> -> memref<1x128xf32, #tpu.memory_space<vmem_shared>>
      %dma_wait3A_47 = arith.constant 0 : i32
      %dma_wait3A_48 = arith.constant 0 : i32
      %dma_wait3A_49 = tpu.memref_slice %arg8[%dma_wait3A_47, %dma_wait3A_48] : memref<128x128xf32, #tpu.memory_space<vmem>> -> memref<1x128xf32, #tpu.memory_space<vmem>>
      tpu.wait_dma2 semaphore(%run_scoped3A : memref<!tpu.dma_semaphore, #tpu.memory_space<semaphore_mem>>) src(%dma_wait3A_49 : memref<1x128xf32, #tpu.memory_space<vmem>>) dst(%dma_wait3A_46 : memref<1x128xf32, #tpu.memory_space<vmem_shared>>)
      tpu.yield
    }) : () -> ()
    %barrier3A = arith.constant 0 : index
    tpu.barrier barrier_id(%barrier3A)
    %scan3A_23 = arith.constant 0 : i32
    %scan3A_24 = arith.constant 0 : i32
    %scan3A_25 = arith.constant 79 : i32
    %scan3A_26 = arith.addi %scan3A_24, %scan3A_25 : i32
    %scan3A_27 = arith.constant 1 : i32
    scf.for %scan3A_32 = %scan3A_24 to %scan3A_26 step %scan3A_27  : i32 {
      %mul3A_33 = arith.constant 128 : i32
      %mul3A_34 = arith.muli %scan3A_32, %mul3A_33 : i32
      %add3A_35 = arith.addi %mul3A_2, %mul3A_34 : i32
      "tpu.region"() ({
        %run_scoped3A = tpu.sem_alloc : memref<!tpu.dma_semaphore, #tpu.memory_space<semaphore_mem>>
        %dma_start3A_40 = tpu.memref_slice %arg3[%add3A_35] : memref<323584xi32, #tpu.memory_space<hbm>> -> memref<128xi32, #tpu.memory_space<hbm>>
        %dma_start3A_41 = tpu.memref_slice %arg3[%add3A_35] : memref<323584xi32, #tpu.memory_space<hbm>> -> memref<128xi32, #tpu.memory_space<hbm>>
        tpu.enqueue_dma source(%dma_start3A_41 : memref<128xi32, #tpu.memory_space<hbm>>) target(%arg6 : memref<128xi32, #tpu.memory_space<vmem>>) target_semaphore(%run_scoped3A : memref<!tpu.dma_semaphore, #tpu.memory_space<semaphore_mem>>)
        %dma_wait3A_42 = tpu.memref_slice %arg3[%add3A_35] : memref<323584xi32, #tpu.memory_space<hbm>> -> memref<128xi32, #tpu.memory_space<hbm>>
        %dma_wait3A_43 = tpu.memref_slice %arg3[%add3A_35] : memref<323584xi32, #tpu.memory_space<hbm>> -> memref<128xi32, #tpu.memory_space<hbm>>
        tpu.wait_dma2 semaphore(%run_scoped3A : memref<!tpu.dma_semaphore, #tpu.memory_space<semaphore_mem>>) src(%dma_wait3A_43 : memref<128xi32, #tpu.memory_space<hbm>>) dst(%arg6 : memref<128xi32, #tpu.memory_space<vmem>>)
        tpu.yield
      }) : () -> ()
      "tpu.region"() ({
        %run_scoped3A = tpu.sem_alloc : memref<!tpu.dma_semaphore, #tpu.memory_space<semaphore_mem>>
        %dma_start3A_40 = tpu.memref_slice %arg4[%add3A_35] : memref<323584xi32, #tpu.memory_space<hbm>> -> memref<128xi32, #tpu.memory_space<hbm>>
        %dma_start3A_41 = tpu.memref_slice %arg4[%add3A_35] : memref<323584xi32, #tpu.memory_space<hbm>> -> memref<128xi32, #tpu.memory_space<hbm>>
        tpu.enqueue_dma source(%dma_start3A_41 : memref<128xi32, #tpu.memory_space<hbm>>) target(%arg7 : memref<128xi32, #tpu.memory_space<vmem>>) target_semaphore(%run_scoped3A : memref<!tpu.dma_semaphore, #tpu.memory_space<semaphore_mem>>)
        %dma_wait3A_42 = tpu.memref_slice %arg4[%add3A_35] : memref<323584xi32, #tpu.memory_space<hbm>> -> memref<128xi32, #tpu.memory_space<hbm>>
        %dma_wait3A_43 = tpu.memref_slice %arg4[%add3A_35] : memref<323584xi32, #tpu.memory_space<hbm>> -> memref<128xi32, #tpu.memory_space<hbm>>
        tpu.wait_dma2 semaphore(%run_scoped3A : memref<!tpu.dma_semaphore, #tpu.memory_space<semaphore_mem>>) src(%dma_wait3A_43 : memref<128xi32, #tpu.memory_space<hbm>>) dst(%arg7 : memref<128xi32, #tpu.memory_space<vmem>>)
        tpu.yield
      }) : () -> ()
      %dma_start3A = arith.constant 0 : i32
      %dma_start3A_36 = arith.constant 0 : i32
      %dma_start3A_37 = tpu.memref_slice %arg2[%dma_start3A, %dma_start3A_36] : memref<10240x128xf32, #tpu.memory_space<hbm>> -> memref<10240x128xf32, #tpu.memory_space<hbm>>
      tpu.enqueue_indirect_dma source(%dma_start3A_37 : memref<10240x128xf32, #tpu.memory_space<hbm>>) target(%arg8 : memref<128x128xf32, #tpu.memory_space<vmem>>) offsets(%arg6 : memref<128xi32, #tpu.memory_space<vmem>>) semaphore(%arg10 : memref<!tpu.dma_semaphore, #tpu.memory_space<semaphore_mem>>)
      %dma_wait3A = arith.constant 0 : i32
      %dma_wait3A_38 = arith.constant 0 : i32
      %dma_wait3A_39 = tpu.memref_slice %arg2[%dma_wait3A, %dma_wait3A_38] : memref<10240x128xf32, #tpu.memory_space<hbm>> -> memref<10240x128xf32, #tpu.memory_space<hbm>>
      tpu.wait_indirect_dma semaphore(%arg10 : memref<!tpu.dma_semaphore, #tpu.memory_space<semaphore_mem>>) src(%dma_wait3A_39 : memref<10240x128xf32, #tpu.memory_space<hbm>>) dst(%arg8 : memref<128x128xf32, #tpu.memory_space<vmem>>)
      "tpu.region"() ({
        %run_scoped3A = tpu.sem_alloc : memref<!tpu.dma_semaphore, #tpu.memory_space<semaphore_mem>>
        %dma_start3A_40 = arith.constant 0 : i32
        %dma_start3A_41 = arith.constant 0 : i32
        %dma_start3A_42 = tpu.memref_slice %arg9[%dma_start3A_40, %dma_start3A_41] : memref<10256x128xf32, #tpu.memory_space<vmem_shared>> -> memref<10256x128xf32, #tpu.memory_space<vmem_shared>>
        tpu.enqueue_indirect_dma source(%arg8 : memref<128x128xf32, #tpu.memory_space<vmem>>) target(%dma_start3A_42 : memref<10256x128xf32, #tpu.memory_space<vmem_shared>>) offsets(%arg7 : memref<128xi32, #tpu.memory_space<vmem>>) semaphore(%run_scoped3A : memref<!tpu.dma_semaphore, #tpu.memory_space<semaphore_mem>>) {add = true}
        %dma_wait3A_43 = arith.constant 0 : i32
        %dma_wait3A_44 = arith.constant 0 : i32
        %dma_wait3A_45 = tpu.memref_slice %arg9[%dma_wait3A_43, %dma_wait3A_44] : memref<10256x128xf32, #tpu.memory_space<vmem_shared>> -> memref<10256x128xf32, #tpu.memory_space<vmem_shared>>
        tpu.wait_indirect_dma semaphore(%run_scoped3A : memref<!tpu.dma_semaphore, #tpu.memory_space<semaphore_mem>>) src(%arg8 : memref<128x128xf32, #tpu.memory_space<vmem>>) dst(%dma_wait3A_45 : memref<10256x128xf32, #tpu.memory_space<vmem_shared>>)
        tpu.yield
      }) : () -> ()
    }
    %scan3A_28 = arith.constant 79 : i32
    %barrier3A_29 = arith.constant 0 : index
    tpu.barrier barrier_id(%barrier3A_29)
    %mul3A_30 = arith.constant 640 : i32
    %mul3A_31 = arith.muli %arg1, %mul3A_30 : i32
    "tpu.region"() ({
      %run_scoped3A = tpu.sem_alloc : memref<!tpu.dma_semaphore, #tpu.memory_space<semaphore_mem>>
      %dma_start3A = arith.constant 0 : i32
      %dma_start3A_32 = tpu.memref_slice %arg5[%arg0, %mul3A_31, %dma_start3A] : memref<2x10240x128xf32, #tpu.memory_space<hbm>> -> memref<1x640x128xf32, #tpu.memory_space<hbm>>
      %dma_start3A_33 = tpu.memref_squeeze %dma_start3A_32 : memref<1x640x128xf32, #tpu.memory_space<hbm>> -> memref<640x128xf32, #tpu.memory_space<hbm>>
      %dma_start3A_34 = arith.constant 0 : i32
      %dma_start3A_35 = tpu.memref_slice %arg9[%mul3A_31, %dma_start3A_34] : memref<10256x128xf32, #tpu.memory_space<vmem_shared>> -> memref<640x128xf32, #tpu.memory_space<vmem_shared>>
      tpu.enqueue_dma source(%dma_start3A_35 : memref<640x128xf32, #tpu.memory_space<vmem_shared>>) target(%dma_start3A_33 : memref<640x128xf32, #tpu.memory_space<hbm>>) target_semaphore(%run_scoped3A : memref<!tpu.dma_semaphore, #tpu.memory_space<semaphore_mem>>)
      %dma_wait3A = arith.constant 0 : i32
      %dma_wait3A_36 = tpu.memref_slice %arg5[%arg0, %mul3A_31, %dma_wait3A] : memref<2x10240x128xf32, #tpu.memory_space<hbm>> -> memref<1x640x128xf32, #tpu.memory_space<hbm>>
      %dma_wait3A_37 = tpu.memref_squeeze %dma_wait3A_36 : memref<1x640x128xf32, #tpu.memory_space<hbm>> -> memref<640x128xf32, #tpu.memory_space<hbm>>
      %dma_wait3A_38 = arith.constant 0 : i32
      %dma_wait3A_39 = tpu.memref_slice %arg9[%mul3A_31, %dma_wait3A_38] : memref<10256x128xf32, #tpu.memory_space<vmem_shared>> -> memref<640x128xf32, #tpu.memory_space<vmem_shared>>
      tpu.wait_dma2 semaphore(%run_scoped3A : memref<!tpu.dma_semaphore, #tpu.memory_space<semaphore_mem>>) src(%dma_wait3A_39 : memref<640x128xf32, #tpu.memory_space<vmem_shared>>) dst(%dma_wait3A_37 : memref<640x128xf32, #tpu.memory_space<hbm>>)
      tpu.yield
    }) : () -> ()
    return
  }
}

module attributes {stable_mosaic.version = 14 : i64} {
  func.func @_mlp_body(%arg0: i32, %arg1: memref<512x128xf32, #tpu.memory_space<vmem>>, %arg2: memref<512x128xf32, #tpu.memory_space<vmem>>, %arg3: memref<512x128xf32, #tpu.memory_space<vmem>>, %arg4: memref<128x512xf32, #tpu.memory_space<vmem>>, %arg5: memref<1x512xf32, #tpu.memory_space<vmem>>, %arg6: memref<512x128xf32, #tpu.memory_space<vmem>>, %arg7: memref<1x128xf32, #tpu.memory_space<vmem>>, %arg8: memref<512x128xf32, #tpu.memory_space<vmem>>) attributes {dimension_semantics = [#tpu.dimension_semantics<arbitrary>], iteration_bounds = array<i64: 20>, scalar_prefetch = 0 : i64, scratch_operands = 0 : i64, tpu.core_type = #tpu.core_type<tc>, window_params = [{transform_indices = @transform_0, window_bounds = array<i64: 512, 128>}, {transform_indices = @transform_1, window_bounds = array<i64: 512, 128>}, {transform_indices = @transform_2, window_bounds = array<i64: 512, 128>}, {pipeline_mode = #tpu.pipeline_mode<synchronous>, transform_indices = @transform_3, window_bounds = array<i64: 128, 512>}, {pipeline_mode = #tpu.pipeline_mode<synchronous>, transform_indices = @transform_4, window_bounds = array<i64: 1, 512>}, {pipeline_mode = #tpu.pipeline_mode<synchronous>, transform_indices = @transform_5, window_bounds = array<i64: 512, 128>}, {pipeline_mode = #tpu.pipeline_mode<synchronous>, transform_indices = @transform_6, window_bounds = array<i64: 1, 128>}, {transform_indices = @transform_7, window_bounds = array<i64: 512, 128>}]} {
    %get3A = arith.constant 0 : index
    %get3A_0 = arith.constant 0 : index
    %get3A_1 = vector.load %arg2[%get3A, %get3A_0] : memref<512x128xf32, #tpu.memory_space<vmem>>, vector<512x128xf32>
    %get3A_2 = arith.constant 0 : index
    %get3A_3 = arith.constant 0 : index
    %get3A_4 = vector.load %arg3[%get3A_2, %get3A_3] : memref<512x128xf32, #tpu.memory_space<vmem>>, vector<512x128xf32>
    %add3A = arith.addf %get3A_1, %get3A_4 : vector<512x128xf32>
    %get3A_5 = arith.constant 0 : index
    %get3A_6 = arith.constant 0 : index
    %get3A_7 = vector.load %arg4[%get3A_5, %get3A_6] : memref<128x512xf32, #tpu.memory_space<vmem>>, vector<128x512xf32>
    %convert_element_type3A = arith.truncf %add3A : vector<512x128xf32> to vector<512x128xbf16>
    %convert_element_type3A_8 = arith.truncf %get3A_7 : vector<128x512xf32> to vector<128x512xbf16>
    %dot_general3A = arith.constant dense<0.000000e+00> : vector<512x512xf32>
    %dot_general3A_9 = tpu.matmul %convert_element_type3A, %convert_element_type3A_8, %dot_general3A {dimension_numbers = #tpu.dot_dimension_numbers<[1], [0], [0], [1], [0, 0, 1, 1], [], []>, transpose_lhs_hint = false} : vector<512x128xbf16>, vector<128x512xbf16>, vector<512x512xf32> -> vector<512x512xf32>
    %get3A_10 = arith.constant 0 : index
    %get3A_11 = arith.constant 0 : index
    %get3A_12 = vector.load %arg5[%get3A_10, %get3A_11] : memref<1x512xf32, #tpu.memory_space<vmem>>, vector<1x512xf32>
    %add3A_13 = vector.broadcast %get3A_12 : vector<1x512xf32> to vector<512x512xf32>
    %add3A_14 = arith.addf %dot_general3A_9, %add3A_13 : vector<512x512xf32>
    %max3A = arith.constant 0.000000e+00 : f32
    %max3A_15 = vector.broadcast %max3A : f32 to vector<512x512xf32>
    %max3A_16 = arith.maximumf %add3A_14, %max3A_15 : vector<512x512xf32>
    %get3A_17 = arith.constant 0 : index
    %get3A_18 = arith.constant 0 : index
    %get3A_19 = vector.load %arg1[%get3A_17, %get3A_18] : memref<512x128xf32, #tpu.memory_space<vmem>>, vector<512x128xf32>
    %get3A_20 = arith.constant 0 : index
    %get3A_21 = arith.constant 0 : index
    %get3A_22 = vector.load %arg6[%get3A_20, %get3A_21] : memref<512x128xf32, #tpu.memory_space<vmem>>, vector<512x128xf32>
    %convert_element_type3A_23 = arith.truncf %max3A_16 : vector<512x512xf32> to vector<512x512xbf16>
    %convert_element_type3A_24 = arith.truncf %get3A_22 : vector<512x128xf32> to vector<512x128xbf16>
    %dot_general3A_25 = arith.constant dense<0.000000e+00> : vector<512x128xf32>
    %dot_general3A_26 = tpu.matmul %convert_element_type3A_23, %convert_element_type3A_24, %dot_general3A_25 {dimension_numbers = #tpu.dot_dimension_numbers<[1], [0], [0], [1], [0, 0, 1, 1], [], []>, transpose_lhs_hint = false} : vector<512x512xbf16>, vector<512x128xbf16>, vector<512x128xf32> -> vector<512x128xf32>
    %add3A_27 = arith.addf %get3A_19, %dot_general3A_26 : vector<512x128xf32>
    %get3A_28 = arith.constant 0 : index
    %get3A_29 = arith.constant 0 : index
    %get3A_30 = vector.load %arg7[%get3A_28, %get3A_29] : memref<1x128xf32, #tpu.memory_space<vmem>>, vector<1x128xf32>
    %add3A_31 = vector.broadcast %get3A_30 : vector<1x128xf32> to vector<512x128xf32>
    %add3A_32 = arith.addf %add3A_27, %add3A_31 : vector<512x128xf32>
    %swap3A = arith.constant 0 : index
    %swap3A_33 = arith.constant 0 : index
    %swap3A_34 = vector.load %arg8[%swap3A, %swap3A_33] : memref<512x128xf32, #tpu.memory_space<vmem>>, vector<512x128xf32>
    tpu.vector_store %arg8[%swap3A, %swap3A_33], %add3A_32 {strides = array<i32>} : memref<512x128xf32, #tpu.memory_space<vmem>>, vector<512x128xf32>,
    return
  }
  func.func @transform_0(%arg0: i32) -> (i32, i32) {
    %c0_i32 = arith.constant 0 : i32
    %c0_i32_0 = arith.constant 0 : i32
    return %arg0, %c0_i32 : i32, i32
  }
  func.func @transform_1(%arg0: i32) -> (i32, i32) {
    %c0_i32 = arith.constant 0 : i32
    %c0_i32_0 = arith.constant 0 : i32
    return %arg0, %c0_i32 : i32, i32
  }
  func.func @transform_2(%arg0: i32) -> (i32, i32) {
    %c0_i32 = arith.constant 0 : i32
    %c0_i32_0 = arith.constant 0 : i32
    return %arg0, %c0_i32 : i32, i32
  }
  func.func @transform_3(%arg0: i32) -> (i32, i32) {
    %c0_i32 = arith.constant 0 : i32
    %c0_i32_0 = arith.constant 0 : i32
    %c0_i32_1 = arith.constant 0 : i32
    return %c0_i32, %c0_i32_0 : i32, i32
  }
  func.func @transform_4(%arg0: i32) -> (i32, i32) {
    %c0_i32 = arith.constant 0 : i32
    %c0_i32_0 = arith.constant 0 : i32
    %c0_i32_1 = arith.constant 0 : i32
    return %c0_i32, %c0_i32_0 : i32, i32
  }
  func.func @transform_5(%arg0: i32) -> (i32, i32) {
    %c0_i32 = arith.constant 0 : i32
    %c0_i32_0 = arith.constant 0 : i32
    %c0_i32_1 = arith.constant 0 : i32
    return %c0_i32, %c0_i32_0 : i32, i32
  }
  func.func @transform_6(%arg0: i32) -> (i32, i32) {
    %c0_i32 = arith.constant 0 : i32
    %c0_i32_0 = arith.constant 0 : i32
    %c0_i32_1 = arith.constant 0 : i32
    return %c0_i32, %c0_i32_0 : i32, i32
  }
  func.func @transform_7(%arg0: i32) -> (i32, i32) {
    %c0_i32 = arith.constant 0 : i32
    %c0_i32_0 = arith.constant 0 : i32
    return %arg0, %c0_i32 : i32, i32
  }
}

module attributes {stable_mosaic.version = 14 : i64} {
  func.func @_pool_body(%arg0: i32, %arg1: memref<1x1x256xi32, #tpu.memory_space<vmem>>, %arg2: memref<256x128xf32, #tpu.memory_space<vmem>>, %arg3: memref<1x128xf32, #tpu.memory_space<vmem>>, %arg4: memref<1x128xf32, #tpu.memory_space<vmem>>, %arg5: memref<128x128xf32, #tpu.memory_space<vmem>>, %arg6: memref<1x128xf32, #tpu.memory_space<vmem>>, %arg7: memref<1x128xf32, #tpu.memory_space<vmem>>, %arg8: memref<1x128xf32, #tpu.memory_space<vmem>>, %arg9: memref<128x1xf32, #tpu.memory_space<vmem>>, %arg10: memref<1x1xf32, #tpu.memory_space<vmem>>, %arg11: memref<256x1xf32, #tpu.memory_space<vmem>>, %arg12: memref<256x128xf32, #tpu.memory_space<vmem>>) attributes {dimension_semantics = [#tpu.dimension_semantics<arbitrary>], iteration_bounds = array<i64: 40>, scalar_prefetch = 0 : i64, scratch_operands = 1 : i64, tpu.core_type = #tpu.core_type<tc>, window_params = [{transform_indices = @transform_0, window_bounds = array<i64: 1, 1, 256>}, {transform_indices = @transform_1, window_bounds = array<i64: 256, 128>}, {pipeline_mode = #tpu.pipeline_mode<synchronous>, transform_indices = @transform_2, window_bounds = array<i64: 1, 128>}, {pipeline_mode = #tpu.pipeline_mode<synchronous>, transform_indices = @transform_3, window_bounds = array<i64: 1, 128>}, {pipeline_mode = #tpu.pipeline_mode<synchronous>, transform_indices = @transform_4, window_bounds = array<i64: 128, 128>}, {pipeline_mode = #tpu.pipeline_mode<synchronous>, transform_indices = @transform_5, window_bounds = array<i64: 1, 128>}, {pipeline_mode = #tpu.pipeline_mode<synchronous>, transform_indices = @transform_6, window_bounds = array<i64: 1, 128>}, {pipeline_mode = #tpu.pipeline_mode<synchronous>, transform_indices = @transform_7, window_bounds = array<i64: 1, 128>}, {pipeline_mode = #tpu.pipeline_mode<synchronous>, transform_indices = @transform_8, window_bounds = array<i64: 128, 1>}, {pipeline_mode = #tpu.pipeline_mode<synchronous>, transform_indices = @transform_9, window_bounds = array<i64: 1, 1>}, {pipeline_mode = #tpu.pipeline_mode<synchronous>, transform_indices = @transform_10, window_bounds = array<i64: 256, 1>}]} {
    %eq3A = arith.constant 0 : i32
    %eq3A_0 = arith.cmpi eq, %arg0, %eq3A : i32
    %convert_element_type3A = arith.extui %eq3A_0 : i1 to i32
    %cond3A = arith.constant 0 : i32
    %cond3A_1 = arith.cmpi ne, %convert_element_type3A, %cond3A : i32
    scf.if %cond3A_1 {
      %broadcast_in_dim3A = arith.constant 0.000000e+00 : f32
      %broadcast_in_dim3A_24 = vector.broadcast %broadcast_in_dim3A : f32 to vector<256x128xf32>
      %swap3A_25 = arith.constant 0 : index
      %swap3A_26 = arith.constant 0 : index
      %swap3A_27 = vector.load %arg12[%swap3A_25, %swap3A_26] : memref<256x128xf32, #tpu.memory_space<vmem>>, vector<256x128xf32>
      tpu.vector_store %arg12[%swap3A_25, %swap3A_26], %broadcast_in_dim3A_24 {strides = array<i32>} : memref<256x128xf32, #tpu.memory_space<vmem>>, vector<256x128xf32>,
    } else {
    }
    %get3A = arith.constant 0 : index
    %get3A_2 = arith.constant 0 : index
    %get3A_3 = arith.constant 0 : index
    %get3A_4 = vector.load %arg1[%get3A, %get3A_2, %get3A_3] : memref<1x1x256xi32, #tpu.memory_space<vmem>>, vector<1x1x256xi32>
    %reshape3A = vector.shape_cast %get3A_4 : vector<1x1x256xi32> to vector<1x256xi32>
    %iota3A = tpu.iota {dimensions = array<i32: 0>} : vector<256x1xi32>
    %eq3A_5 = vector.broadcast %reshape3A : vector<1x256xi32> to vector<256x256xi32>
    %eq3A_6 = vector.broadcast %iota3A : vector<256x1xi32> to vector<256x256xi32>
    %eq3A_7 = arith.cmpi eq, %eq3A_5, %eq3A_6 : vector<256x256xi32>
    %convert_element_type3A_8 = arith.extui %eq3A_7 : vector<256x256xi1> to vector<256x256xi32>
    %convert_element_type3A_9 = arith.sitofp %convert_element_type3A_8 : vector<256x256xi32> to vector<256x256xf32>
    %get3A_10 = arith.constant 0 : index
    %get3A_11 = arith.constant 0 : index
    %get3A_12 = vector.load %arg12[%get3A_10, %get3A_11] : memref<256x128xf32, #tpu.memory_space<vmem>>, vector<256x128xf32>
    %get3A_13 = arith.constant 0 : index
    %get3A_14 = arith.constant 0 : index
    %get3A_15 = vector.load %arg2[%get3A_13, %get3A_14] : memref<256x128xf32, #tpu.memory_space<vmem>>, vector<256x128xf32>
    %dot_general3A = arith.constant dense<0.000000e+00> : vector<256x128xf32>
    %dot_general3A_16 = tpu.matmul %convert_element_type3A_9, %get3A_15, %dot_general3A {dimension_numbers = #tpu.dot_dimension_numbers<[1], [0], [0], [1], [0, 0, 1, 1], [], []>, precision = #tpu.contract_precision<fp32>, transpose_lhs_hint = false} : vector<256x256xf32>, vector<256x128xf32>, vector<256x128xf32> -> vector<256x128xf32>
    %add3A = arith.addf %get3A_12, %dot_general3A_16 : vector<256x128xf32>
    %swap3A = arith.constant 0 : index
    %swap3A_17 = arith.constant 0 : index
    %swap3A_18 = vector.load %arg12[%swap3A, %swap3A_17] : memref<256x128xf32, #tpu.memory_space<vmem>>, vector<256x128xf32>
    tpu.vector_store %arg12[%swap3A, %swap3A_17], %add3A {strides = array<i32>} : memref<256x128xf32, #tpu.memory_space<vmem>>, vector<256x128xf32>,
    %eq3A_19 = arith.constant 39 : i32
    %eq3A_20 = arith.cmpi eq, %arg0, %eq3A_19 : i32
    %convert_element_type3A_21 = arith.extui %eq3A_20 : i1 to i32
    %cond3A_22 = arith.constant 0 : i32
    %cond3A_23 = arith.cmpi ne, %convert_element_type3A_21, %cond3A_22 : i32
    scf.if %cond3A_23 {
      %get3A_24 = arith.constant 0 : index
      %get3A_25 = arith.constant 0 : index
      %get3A_26 = vector.load %arg12[%get3A_24, %get3A_25] : memref<256x128xf32, #tpu.memory_space<vmem>>, vector<256x128xf32>
      %reduce_sum3A = arith.constant dense<0.000000e+00> : vector<256xf32>
      %reduce_sum3A_27 = vector.multi_reduction <add>, %get3A_26, %reduce_sum3A [1] : vector<256x128xf32> to vector<256xf32>
      %broadcast_in_dim3A = vector.shape_cast %reduce_sum3A_27 : vector<256xf32> to vector<256x1xf32>
      %div3A = arith.constant 1.280000e+02 : f32
      %div3A_28 = vector.broadcast %div3A : f32 to vector<256x1xf32>
      %div3A_29 = arith.divf %broadcast_in_dim3A, %div3A_28 : vector<256x1xf32>
      %sub3A = vector.broadcast %div3A_29 : vector<256x1xf32> to vector<256x128xf32>
      %sub3A_30 = arith.subf %get3A_26, %sub3A : vector<256x128xf32>
      %integer_pow3A = arith.mulf %sub3A_30, %sub3A_30 : vector<256x128xf32>
      %reduce_sum3A_31 = arith.constant dense<0.000000e+00> : vector<256xf32>
      %reduce_sum3A_32 = vector.multi_reduction <add>, %integer_pow3A, %reduce_sum3A_31 [1] : vector<256x128xf32> to vector<256xf32>
      %broadcast_in_dim3A_33 = vector.shape_cast %reduce_sum3A_32 : vector<256xf32> to vector<256x1xf32>
      %div3A_34 = arith.constant 1.280000e+02 : f32
      %div3A_35 = vector.broadcast %div3A_34 : f32 to vector<256x1xf32>
      %div3A_36 = arith.divf %broadcast_in_dim3A_33, %div3A_35 : vector<256x1xf32>
      %sub3A_37 = vector.broadcast %div3A_29 : vector<256x1xf32> to vector<256x128xf32>
      %sub3A_38 = arith.subf %get3A_26, %sub3A_37 : vector<256x128xf32>
      %add3A_39 = arith.constant 9.99999974E-6 : f32
      %add3A_40 = vector.broadcast %add3A_39 : f32 to vector<256x1xf32>
      %add3A_41 = arith.addf %div3A_36, %add3A_40 : vector<256x1xf32>
      %sqrt3A = math.sqrt %add3A_41 : vector<256x1xf32>
      %div3A_42 = vector.broadcast %sqrt3A : vector<256x1xf32> to vector<256x128xf32>
      %div3A_43 = arith.divf %sub3A_38, %div3A_42 : vector<256x128xf32>
      %get3A_44 = arith.constant 0 : index
      %get3A_45 = arith.constant 0 : index
      %get3A_46 = vector.load %arg3[%get3A_44, %get3A_45] : memref<1x128xf32, #tpu.memory_space<vmem>>, vector<1x128xf32>
      %mul3A = vector.broadcast %get3A_46 : vector<1x128xf32> to vector<256x128xf32>
      %mul3A_47 = arith.mulf %div3A_43, %mul3A : vector<256x128xf32>
      %get3A_48 = arith.constant 0 : index
      %get3A_49 = arith.constant 0 : index
      %get3A_50 = vector.load %arg4[%get3A_48, %get3A_49] : memref<1x128xf32, #tpu.memory_space<vmem>>, vector<1x128xf32>
      %add3A_51 = vector.broadcast %get3A_50 : vector<1x128xf32> to vector<256x128xf32>
      %add3A_52 = arith.addf %mul3A_47, %add3A_51 : vector<256x128xf32>
      %get3A_53 = arith.constant 0 : index
      %get3A_54 = arith.constant 0 : index
      %get3A_55 = vector.load %arg5[%get3A_53, %get3A_54] : memref<128x128xf32, #tpu.memory_space<vmem>>, vector<128x128xf32>
      %convert_element_type3A_56 = arith.truncf %add3A_52 : vector<256x128xf32> to vector<256x128xbf16>
      %convert_element_type3A_57 = arith.truncf %get3A_55 : vector<128x128xf32> to vector<128x128xbf16>
      %dot_general3A_58 = arith.constant dense<0.000000e+00> : vector<256x128xf32>
      %dot_general3A_59 = tpu.matmul %convert_element_type3A_56, %convert_element_type3A_57, %dot_general3A_58 {dimension_numbers = #tpu.dot_dimension_numbers<[1], [0], [0], [1], [0, 0, 1, 1], [], []>, transpose_lhs_hint = false} : vector<256x128xbf16>, vector<128x128xbf16>, vector<256x128xf32> -> vector<256x128xf32>
      %get3A_60 = arith.constant 0 : index
      %get3A_61 = arith.constant 0 : index
      %get3A_62 = vector.load %arg6[%get3A_60, %get3A_61] : memref<1x128xf32, #tpu.memory_space<vmem>>, vector<1x128xf32>
      %add3A_63 = vector.broadcast %get3A_62 : vector<1x128xf32> to vector<256x128xf32>
      %add3A_64 = arith.addf %dot_general3A_59, %add3A_63 : vector<256x128xf32>
      %sqrt3A_65 = arith.constant 1.000010e+00 : f32
      %sqrt3A_66 = math.sqrt %sqrt3A_65 : f32
      %div3A_67 = arith.constant 1.000000e+00 : f32
      %div3A_68 = arith.divf %div3A_67, %sqrt3A_66 : f32
      %mul3A_69 = vector.broadcast %div3A_68 : f32 to vector<256x128xf32>
      %mul3A_70 = arith.mulf %add3A_64, %mul3A_69 : vector<256x128xf32>
      %get3A_71 = arith.constant 0 : index
      %get3A_72 = arith.constant 0 : index
      %get3A_73 = vector.load %arg7[%get3A_71, %get3A_72] : memref<1x128xf32, #tpu.memory_space<vmem>>, vector<1x128xf32>
      %mul3A_74 = vector.broadcast %get3A_73 : vector<1x128xf32> to vector<256x128xf32>
      %mul3A_75 = arith.mulf %mul3A_70, %mul3A_74 : vector<256x128xf32>
      %get3A_76 = arith.constant 0 : index
      %get3A_77 = arith.constant 0 : index
      %get3A_78 = vector.load %arg8[%get3A_76, %get3A_77] : memref<1x128xf32, #tpu.memory_space<vmem>>, vector<1x128xf32>
      %add3A_79 = vector.broadcast %get3A_78 : vector<1x128xf32> to vector<256x128xf32>
      %add3A_80 = arith.addf %mul3A_75, %add3A_79 : vector<256x128xf32>
      %max3A = arith.constant 0.000000e+00 : f32
      %max3A_81 = vector.broadcast %max3A : f32 to vector<256x128xf32>
      %max3A_82 = arith.maximumf %add3A_80, %max3A_81 : vector<256x128xf32>
      %get3A_83 = arith.constant 0 : index
      %get3A_84 = arith.constant 0 : index
      %get3A_85 = vector.load %arg9[%get3A_83, %get3A_84] : memref<128x1xf32, #tpu.memory_space<vmem>>, vector<128x1xf32>
      %convert_element_type3A_86 = arith.truncf %max3A_82 : vector<256x128xf32> to vector<256x128xbf16>
      %convert_element_type3A_87 = arith.truncf %get3A_85 : vector<128x1xf32> to vector<128x1xbf16>
      %dot_general3A_88 = arith.constant dense<0.000000e+00> : vector<256x1xf32>
      %dot_general3A_89 = tpu.matmul %convert_element_type3A_86, %convert_element_type3A_87, %dot_general3A_88 {dimension_numbers = #tpu.dot_dimension_numbers<[1], [0], [0], [1], [0, 0, 1, 1], [], []>, transpose_lhs_hint = false} : vector<256x128xbf16>, vector<128x1xbf16>, vector<256x1xf32> -> vector<256x1xf32>
      %get3A_90 = arith.constant 0 : index
      %get3A_91 = arith.constant 0 : index
      %get3A_92 = vector.load %arg10[%get3A_90, %get3A_91] : memref<1x1xf32, #tpu.memory_space<vmem>>, vector<1x1xf32>
      %add3A_93 = vector.broadcast %get3A_92 : vector<1x1xf32> to vector<256x1xf32>
      %add3A_94 = arith.addf %dot_general3A_89, %add3A_93 : vector<256x1xf32>
      %jit3A = arith.constant 0.000000e+00 : f32
      %jit3A_95 = arith.constant 1.000000e+02 : f32
      %max3A_96 = vector.broadcast %jit3A : f32 to vector<256x1xf32>
      %max3A_97 = arith.maximumf %max3A_96, %add3A_94 : vector<256x1xf32>
      %min3A = vector.broadcast %jit3A_95 : f32 to vector<256x1xf32>
      %min3A_98 = arith.minimumf %min3A, %max3A_97 : vector<256x1xf32>
      %swap3A_99 = arith.constant 0 : index
      %swap3A_100 = arith.constant 0 : index
      %swap3A_101 = vector.load %arg11[%swap3A_99, %swap3A_100] : memref<256x1xf32, #tpu.memory_space<vmem>>, vector<256x1xf32>
      tpu.vector_store %arg11[%swap3A_99, %swap3A_100], %min3A_98 {strides = array<i32>} : memref<256x1xf32, #tpu.memory_space<vmem>>, vector<256x1xf32>,
    } else {
    }
    return
  }
  func.func @transform_0(%arg0: i32) -> (i32, i32, i32) {
    %c0_i32 = arith.constant 0 : i32
    %c0_i32_0 = arith.constant 0 : i32
    %c0_i32_1 = arith.constant 0 : i32
    return %arg0, %c0_i32, %c0_i32_0 : i32, i32, i32
  }
  func.func @transform_1(%arg0: i32) -> (i32, i32) {
    %c0_i32 = arith.constant 0 : i32
    %c0_i32_0 = arith.constant 0 : i32
    return %arg0, %c0_i32 : i32, i32
  }
  func.func @transform_2(%arg0: i32) -> (i32, i32) {
    %c0_i32 = arith.constant 0 : i32
    %c0_i32_0 = arith.constant 0 : i32
    %c0_i32_1 = arith.constant 0 : i32
    return %c0_i32, %c0_i32_0 : i32, i32
  }
  func.func @transform_3(%arg0: i32) -> (i32, i32) {
    %c0_i32 = arith.constant 0 : i32
    %c0_i32_0 = arith.constant 0 : i32
    %c0_i32_1 = arith.constant 0 : i32
    return %c0_i32, %c0_i32_0 : i32, i32
  }
  func.func @transform_4(%arg0: i32) -> (i32, i32) {
    %c0_i32 = arith.constant 0 : i32
    %c0_i32_0 = arith.constant 0 : i32
    %c0_i32_1 = arith.constant 0 : i32
    return %c0_i32, %c0_i32_0 : i32, i32
  }
  func.func @transform_5(%arg0: i32) -> (i32, i32) {
    %c0_i32 = arith.constant 0 : i32
    %c0_i32_0 = arith.constant 0 : i32
    %c0_i32_1 = arith.constant 0 : i32
    return %c0_i32, %c0_i32_0 : i32, i32
  }
  func.func @transform_6(%arg0: i32) -> (i32, i32) {
    %c0_i32 = arith.constant 0 : i32
    %c0_i32_0 = arith.constant 0 : i32
    %c0_i32_1 = arith.constant 0 : i32
    return %c0_i32, %c0_i32_0 : i32, i32
  }
  func.func @transform_7(%arg0: i32) -> (i32, i32) {
    %c0_i32 = arith.constant 0 : i32
    %c0_i32_0 = arith.constant 0 : i32
    %c0_i32_1 = arith.constant 0 : i32
    return %c0_i32, %c0_i32_0 : i32, i32
  }
  func.func @transform_8(%arg0: i32) -> (i32, i32) {
    %c0_i32 = arith.constant 0 : i32
    %c0_i32_0 = arith.constant 0 : i32
    %c0_i32_1 = arith.constant 0 : i32
    return %c0_i32, %c0_i32_0 : i32, i32
  }
  func.func @transform_9(%arg0: i32) -> (i32, i32) {
    %c0_i32 = arith.constant 0 : i32
    %c0_i32_0 = arith.constant 0 : i32
    %c0_i32_1 = arith.constant 0 : i32
    return %c0_i32, %c0_i32_0 : i32, i32
  }
  func.func @transform_10(%arg0: i32) -> (i32, i32) {
    %c0_i32 = arith.constant 0 : i32
    %c0_i32_0 = arith.constant 0 : i32
    %c0_i32_1 = arith.constant 0 : i32
    return %c0_i32, %c0_i32_0 : i32, i32
  }
}

</mosaic_0001>

<sc_bundles>
// kernel: kernel.10.cloned.1.call-start
scs
__scs_entry_jumppad:
0x0: {  	(pc) =	sbr.rel $0x88, $3  }
0x1: {  	(tag) =	ssettag $0x0;
	lr =	simm.s32 $0x1  }
0x2: {  	[smem:$0x3F8E] =	sst lr;
	_ =	strace $0xD0000000  }
0x3: {  	_ = 	snop  }
0x4: {  	_ = 	snop  }
0x5: {  	_ = 	snop  }
0x6: {  	_ = 	snop  }
0x7: {  	_ = 	snop  }
__scs_overlays_trampoline_lowered:
0x8: {  	[smem:$0x3F9D] =	sst s0  }
0x9: {  	[smem:$0x3F9E] =	sst s1  }
0xa: {  	[smem:$0x3F9F] =	sst s2  }
0xb: {  	[smem:$0x3FA0] =	sst s3  }
0xc: {  	[smem:$0x3FA1] =	sst s4  }
0xd: {  	[smem:$0x3FA2] =	sst s5  }
0xe: {  	[smem:$0x3FA3] =	sst s6  }
0xf: {  	[smem:$0x3FA4] =	sst s7  }
0x10: {  	[smem:$0x3FA5] =	sst s8  }
0x11: {  	[smem:$0x3FA6] =	sst s9;
	s0 =	simm.s32 @!p0 $0x0  }
0x12: {  	s1 =	sld [smem:$0x3F8C];
	s0 =	simm.s32 @p0 $0x1  }
0x13: {  	[smem:$0x3FA7] =	sst s0;
	s0 =	simm.s32 @!p1 $0x0  }
0x14: {  	s2 =	sld [smem:$0x3F8B];
	s0 =	simm.s32 @p1 $0x1  }
0x15: {  	[smem:$0x3FA8] =	sst s0;
	s0 =	simm.s32 @!p2 $0x0  }
0x16: {  	s3 =	sld [smem:$0x3FDB];
	s0 =	simm.s32 @p2 $0x1  }
0x17: {  	s4 =	simm.s32 $0x1BF5;
	[smem:$0x3FAA] =	sst s0  }
0x18: {  	s0 =	sld [smem:$0x3F8D];
	_ =	swait.ge [sflag:s4], $0x0  }
0x19: {  	s7 =	sld [smem:$0x3F8E]  }
0x1a: {  	s8 =	sadd.s32 $0xFFFFE003, lr  }
0x1b: {  	s9 =	sadd.s32 $0xFFFFFEF7, lr;
	s5 =	simm.s32 $0xFFFFFFFF;
	p2 =	slt.u32 s8, $0xFFFFF086  }
0x1c: {  	p1 =	slt.u32 s9, $0xF7A;
	s5 =	simm.s32 @!p2 $0x0  }
0x1d: {  	s5 =	simm.s32 @p1 $0x1;
	p0 =	seq.s32 s7, s2  }
0x1e: {  	s7 =	smul.u32 @!p0 $0xF7A, s2;
	p2 =	seq.s32 @!p0 s5, $0x0  }
0x1f: {  	s9 =	smul.u32 $0xF7A, s1;
	s8 =	simm.s32 @!p0 $0x1BF5;
	p2 =	por !p2, p0  }
0x20: {  	[sflag:s8] =	ssyncset.s32 @!p0 $0xFFFFF086;
	s6 =	sadd.s32 @!p0 s3, s7;
	s7 =	simm.s32 @!p0 $0x108  }
0x21: {  	s3 =	sadd.s32 s3, s9;
	s6 =	sadd.s32 @!p0 $0x88, s6;
	s7 =	simm.s32 @p2 $0x1082  }
0x22: {  	[simem:s7], [sflag:s8] =	dma.local @!p0 [hbm:s6], $0xF7A  }
0x23: {  	s9 =	sor.u32 $0xD0000000, s2;
	s6 =	simm.s32 $0x108;
	_ =	swait.ge @!p0 [sflag:s8], $0x0  }
0x24: {  	s3 =	sadd.s32 $0x88, s3;
	s6 =	simm.s32 @!p1 $0x1082;
	[sflag:s4] =	ssyncset.s32 $0xFFFFF086  }
0x25: {  	[simem:s6], [sflag:s4] =	dma.local [hbm:s3], $0xF7A  }
0x26: {  	[smem:$0x3F8E] =	sst s1;
	(tag) =	ssettag s2;
	_ =	strace s9  }
0x27: {  	s1 =	sld [smem:$0x3F9E]  }
0x28: {  	s2 =	sld [smem:$0x3F9F]  }
0x29: {  	s4 =	sld [smem:$0x3FA1]  }
0x2a: {  	p0 =	seq.s32 s5, $0x0;
	s5 =	sld [smem:$0x3FA2]  }
0x2b: {  	s6 =	sld [smem:$0x3FA3]  }
0x2c: {  	s7 =	sld [smem:$0x3FA4]  }
0x2d: {  	s3 =	simm.s32 $0x108;
	s8 =	sld [smem:$0x3FA5]  }
0x2e: {  	s3 =	simm.s32 @!p0 $0x1082;
	s9 =	sld [smem:$0x3FA6]  }
0x2f: {  	lr =	sadd.s32 s0, s3;
	s0 =	sld [smem:$0x3F9D]  }
0x30: {  	s3 =	sld [smem:$0x3FA0]  }
0x31: {  	[smem:$0x3FA9] =	sst s10  }
0x32: {  	s10 =	sld [smem:$0x3FA7];
	_ =	sdelay $0x3  }
0x33: {  	p0 =	seq.s32 s10, $0x1;
	s10 =	sld [smem:$0x3FA9];
	_ =	sdelay $0x3  }
0x34: {  	[smem:$0x3FA9] =	sst s10  }
0x35: {  	s10 =	sld [smem:$0x3FA8];
	_ =	sdelay $0x3  }
0x36: {  	p1 =	seq.s32 s10, $0x1;
	s10 =	sld [smem:$0x3FA9];
	_ =	sdelay $0x3  }
0x37: {  	[smem:$0x3FA9] =	sst s10  }
0x38: {  	s10 =	sld [smem:$0x3FAA]  }
0x39: {  	_ = 	snop;
	(pc) =	sbr.ind lr, $3  }
0x3a: {  	_ = 	snop  }
0x3b: {  	_ = 	snop  }
0x3c: {  	p2 =	seq.s32 s10, $0x1;
	s10 =	sld [smem:$0x3FA9]  }
0x3d: {  	_ =	shalt  }
0x3e: {  	_ =	shalt  }
0x3f: {  	_ =	shalt  }
0x40: {  	_ =	shalt  }
0x41: {  	_ =	shalt  }
0x42: {  	_ =	shalt  }
0x43: {  	_ =	shalt  }
0x44: {  	_ =	shalt  }
0x45: {  	_ =	shalt  }
0x46: {  	_ =	shalt  }
0x47: {  	_ =	shalt  }
0x48: {  	_ =	shalt  }
0x49: {  	_ =	shalt  }
0x4a: {  	_ =	shalt  }
0x4b: {  	_ =	shalt  }
0x4c: {  	_ =	shalt  }
0x4d: {  	_ =	shalt  }
0x4e: {  	_ =	shalt  }
0x4f: {  	_ =	shalt  }
0x50: {  	_ =	shalt  }
0x51: {  	_ =	shalt  }
0x52: {  	_ =	shalt  }
0x53: {  	_ =	shalt  }
0x54: {  	_ =	shalt  }
0x55: {  	_ =	shalt  }
0x56: {  	_ =	shalt  }
0x57: {  	_ =	shalt  }
0x58: {  	_ =	shalt  }
0x59: {  	_ =	shalt  }
0x5a: {  	_ =	shalt  }
0x5b: {  	_ =	shalt  }
0x5c: {  	_ =	shalt  }
0x5d: {  	_ =	shalt  }
0x5e: {  	_ =	shalt  }
0x5f: {  	_ =	shalt  }
0x60: {  	_ =	shalt  }
0x61: {  	_ =	shalt  }
0x62: {  	_ =	shalt  }
0x63: {  	_ =	shalt  }
0x64: {  	_ =	shalt  }
0x65: {  	_ =	shalt  }
0x66: {  	_ =	shalt  }
0x67: {  	_ =	shalt  }
0x68: {  	_ =	shalt  }
0x69: {  	_ =	shalt  }
0x6a: {  	_ =	shalt  }
0x6b: {  	_ =	shalt  }
0x6c: {  	_ =	shalt  }
0x6d: {  	_ =	shalt  }
0x6e: {  	_ =	shalt  }
0x6f: {  	_ =	shalt  }
0x70: {  	_ =	shalt  }
0x71: {  	_ =	shalt  }
0x72: {  	_ =	shalt  }
0x73: {  	_ =	shalt  }
0x74: {  	_ =	shalt  }
0x75: {  	_ =	shalt  }
0x76: {  	_ =	shalt  }
0x77: {  	_ =	shalt  }
0x78: {  	_ =	shalt  }
0x79: {  	_ =	shalt  }
0x7a: {  	_ =	shalt  }
0x7b: {  	_ =	shalt  }
0x7c: {  	_ =	shalt  }
0x7d: {  	_ =	shalt  }
0x7e: {  	_ =	shalt  }
0x7f: {  	_ =	shalt  }
0x80: {  	_ =	shalt  }
0x81: {  	_ =	shalt  }
0x82: {  	_ =	shalt  }
0x83: {  	_ =	shalt  }
0x84: {  	_ =	shalt  }
0x85: {  	_ =	shalt  }
0x86: {  	_ =	shalt  }
0x87: {  	_ =	shalt  }
.Lfunc_end0:
.L_simem_size_0:
called_computation.1_lowered:
.L_overlay_start_0:
0x88: {  	s2 =	sld [smem:$0x3FD9]  }
0x89: {  	s3 =	sld [smem:$0x3FFE];
	_ =	sdelay $0x1  }
0x8a: {  	s1 =	srdreg.scid  }
0x8b: {  	s0 =	sand.u32 $0x1, s1  }
0x8c: {  	s16 =	sshll.u32 s0, $0xA;
	s2 =	sadd.s32 s3, s2  }
0x8d: {  	s2 =	sadd.s32 s2, s16  }
0x8e: {  	[smem:$0x3FB5] =	sst s2  }
0x8f: {  	_ = 	snop  }
0x90: {  	(tm) =	ssettm $0x1  }
0x91: {  	s17 =	sld [smem:$0x3FFB];
	_ =	sdelay $0x3  }
0x92: {  	_ =	strace s17  }
0x93: {  	s2 =	sld [smem:$0x3FFC];
	_ =	sdelay $0x3  }
0x94: {  	_ =	strace s2  }
0x95: {  	s2 =	sld [smem:$0x3FFD];
	_ =	sdelay $0x3  }
0x96: {  	_ =	strace s2  }
0x97: {  	_ =	strace $0x8FFFFFFF  }
0x98: {  	s18 =	sld [smem:$0x3FDB];
	_ =	sdelay $0x1  }
0x99: {  	s19 =	simm.s32 $_scs_section_size  }
0x9a: {  	s4 =	simm.s32 $_size__tile_overlayer_lowered;
	s5 =	simm.s32 $_tile_overlayer_lowered  }
0x9b: {  	s22 =	simm.s32 $0x1BFF;
	s21 =	sshll.u32 s5, $0x1;
	s2 =	sadd.s32 s19, s18  }
0x9c: {  	s6 =	simm.s32 $0x0;
	s20 =	sshll.u32 s4, $0x1;
	s4 =	sadd.s32 s21, s2  }
0x9d: {  	[timem:s6], [sflag:s22] =	dma.local [hbm:s4], s20  }
0x9e: {  	_ =	swait.ge [sflag:s22], s20  }
0x9f: {  	s3 =	ssub.s32 $0x0, s20;
	[sflag:s22] =	ssyncset.done $0x0  }
0xa0: {  	[sflag:s22] =	ssyncadd.s32 s3;
	_ =	sdelay $0x1  }
0xa1: {  	s23 =	simm.s32 $0x1B8B  }
0xa2: {  	_ =	swait.ge [sflag:s23], $0x1  }
0xa3: {  	[sflag:s23] =	ssyncset.done $0x0  }
0xa4: {  	s25 =	simm.s32 $0x1B8E;
	s24 =	sld [smem:$0x3FFE];
	[sflag:s23] =	ssyncadd.s32 $0xFFFFFFFF  }
0xa5: {  	s26 =	simm.s32 $execute0_lowered;
	[smem:$0x3FD2] =	sst s25  }
0xa6: {  	s4 =	sshll.u32 s26, $0x1;
	_ =	strace $0x80000049;
	[dreg:$0x1] =	wrdreg $0xFFFFFFFF  }
0xa7: {  	s28 =	simm.s32 $_size_execute0_lowered;
	s2 =	sadd.s32 s2, s4;
	[dreg:$0x0] =	wrdreg $0x0  }
0xa8: {  	s4 =	sshll.u32 s28, $0x1;
	[dreg:$0x2] =	wrdreg s2  }
0xa9: {  	[dreg:$0x3] =	wrdreg s4  }
0xaa: {  	[dreg:$0x4] =	wrdreg $0xC0  }
0xab: {  	_ =	task [dreg:s6], $0x5FFFF  }
0xac: {  	[dreg:$0x1] =	wrdreg $0xFFFFFFFF  }
0xad: {  	[dreg:$0x0] =	wrdreg $0x60  }
0xae: {  	[dreg:$0x2] =	wrdreg s24  }
0xaf: {  	[dreg:$0x3] =	wrdreg $0x41000  }
0xb0: {  	[dreg:$0x4] =	wrdreg $0x9  }
0xb1: {  	_ =	task.clear_ibuf [dreg:s6], $0x5FFFF;
	_ =	strace $0x90000049  }
0xb2: {  	s29 =	simm.s32 $0x9;
	_ =	strace $0x8000004B  }
0xb3: {  	_ =	swait.ge [sflag:s29], $0x1  }
0xb4: {  	[sflag:s29] =	ssyncadd.s32 $0xFFFFFFFF  }
0xb5: {  	_ =	strace $0x9000004B  }
0xb6: {  	_ =	sfence  }
0xb7: {  	s30 =	sld [smem:$0x0];
	_ =	sdelay $0x2  }
0xb8: {  	s31 =	sshll.u32 s1, $0xD;
	s1 =	sshrl.u32 s1, $0x2  }
0xb9: {  	s3 =	sand.u32 $0x4000, s31;
	s1 =	sadd.s32 s1, s30  }
0xba: {  	s0 =	sor.u32 s3, s0;
	s1 =	sshll.u32 s1, $0x11  }
0xbb: {  	s0 =	sor.u32 s1, s0  }
0xbc: {  	s0 =	sadd.s32 $0x8F2B, s0  }
0xbd: {  	[sflag:s0] =	ssyncadd.remote.s32 $0x1  }
0xbe: {  	_ =	sfence.sel $0xFFFF  }
0xbf: {  	[dreg:$0x0] =	wrdreg $0xFFFFFFFF;
	(pc) =	sbr.abs _section_cstart, $3  }
0xc0: {  	[dreg:$0x1] =	wrdreg $0xFFFFFFFF  }
0xc1: {  	_ =	task.clear_ibuf [dreg:s6], $0x2FFFF;
	_ =	strace $0x9FFFFFFF  }
0xc2: {  	(tm) =	ssettm $0x7FFFFFFF  }
0xc3: {  	_ =	shalt  }
tec
execute0_lowered:
.L_overlay_start_1:
0x0: {  	(tag) =	ssettag $0x1  }
0x1: {  	s5 =	rddreg [dreg:$0x0]  }
0x2: {  	s1 =	rddreg [dreg:$0x1];
	s2 =	srdreg.scid  }
0x3: {  	s0 =	rddreg [dreg:$0x2];
	s3 =	simm.s32 $0x0;
	s6 =	sand.u32 $0x1, s2  }
0x4: {  	s16 =	simm.s32 $0x2;
	s2 =	stileid.u32;
	s7 =	smul.u32 $0x140000, s6  }
0x5: {  	s17 =	simm.s32 $0x80;
	s18 =	simm.s32 $0x1;
	s8 =	smul.u32 $0x14000, s2  }
0x6: {  	s21 =	simm.s32 $0x0;
	[smem:$0x7FF] =	sst s3;
	s9 =	smul.u32 $0x4F00, s6  }
0x7: {  	s4 =	sadd.s32 $0x16E00, s5;
	_ =	strace $0x8000004A;
	s29 =	smul.u32 $0x50200, s2  }
0x8: {  	s6 =	ssub.s32 $0x2, s6;
	s14 =	smul.u32 $0x50000, s2;
	s19 =	sshll.u32 s2, $0x6  }
0x9: {  	s15 =	smul.u32 $0x4F0, s2;
	s30 =	sshrl.u32 s6, $0x1;
	s19 =	sor.u32 $0x1C02, s19  }
0xa: {  	s7 =	sadd.s32 s8, s7;
	s12 =	sadd.s32 s9, s5;
	s31 =	sshrl.u32 s29, $0x2  }
0xb: {  	s13 =	ssub.s32 s6, s30;
	s14 =	sshrl.u32 s14, $0x2;
	s7 =	sshrl.u32 s7, $0x3  }
0xc: {  	s15 =	sadd.s32 s15, s12;
	s20 =	sadd.s32 s14, s1;
	s12 =	smax.u32 s13, $0x1  }
0xd: {  	s11 =	sadd.s32 s7, s5;
	s5 =	sadd.s32 s31, s1;
	s13 =	sadd.s32 $0xD000, s15  }
0xe: {  	s14 =	sadd.s32 $0x3200, s15;
	s15 =	simm.s32 $0x100;
	s20 =	sshrl.u32 s20, $0x3  }
0xf: {  	s6 =	sadd.s32 $0x4000, s5;
	s7 =	sadd.s32 $0x8000, s5;
	s8 =	sadd.s32 $0xC000, s5  }
0x10: {  	v0 =	vimm.f32 $0.0e+00;
	s9 =	sadd.s32 $0x10000, s5;
	s10 =	sadd.s32 $0x14000, s5;
	s11 =	sadd.s32 $0x3EE00, s11  }
.LBB2_1:
0x11: {  	s22 =	simm.s32 $0x0;
	s23 =	simm.s32 $0x200  }
.LBB2_2:
0x12: {  	p0 =	sne.s32 s23, $0xFE00;
	[tilespmem:s22+$0x170] =	vst v0  }
0x13: {  	[tilespmem:s22+$0x100] =	vst v0  }
0x14: {  	[tilespmem:s22+$0x110] =	vst v0  }
.Ltmp0:
0x15: {  	[tilespmem:s22+$0x120] =	vst v0;
	(pc) =	sbr.rel @p0 .LBB2_2-.Ltmp0, $4  }
0x16: {  	[tilespmem:s22+$0x130] =	vst v0  }
0x17: {  	[tilespmem:s22+$0x140] =	vst v0  }
0x18: {  	[tilespmem:s22+$0x150] =	vst v0  }
0x19: {  	[tilespmem:s22+$0x160] =	vst v0;
	s22 =	sshra.s32 s23, $0x2;
	s23 =	sadd.s32 $0x200, s23  }
0x1a: {  	[tilespmem:s22+$0x170] =	vst v0  }
0x1b: {  	[tilespmem:s22+$0x100] =	vst v0  }
0x1c: {  	[tilespmem:s22+$0x110] =	vst v0  }
0x1d: {  	[tilespmem:s22+$0x120] =	vst v0  }
0x1e: {  	[tilespmem:s22+$0x130] =	vst v0  }
0x1f: {  	[tilespmem:s22+$0x140] =	vst v0  }
0x20: {  	[tilespmem:s22+$0x150] =	vst v0  }
0x21: {  	[tilespmem:s22+$0x160] =	vst v0  }
0x22: {  	[spmem:s5] =	stream.linear.scatter [tilespmem:s15], [sflag:$0x2], $0x4000, $0x38;
	[tilespmem:$0x18180] =	vst v63  }
0x23: {  	_ =	swait.ge [sflag:s16], $0x4000  }
0x24: {  	[sflag:s16] =	ssyncset.done $0x0  }
0x25: {  	[sflag:s16] =	ssyncadd.s32 $0xFFFFC000  }
0x26: {  	[spmem:s6] =	stream.linear.scatter [tilespmem:s15], [sflag:$0x2], $0x4000, $0x38;
	[tilespmem:$0x18180] =	vst v63  }
0x27: {  	_ =	swait.ge [sflag:s16], $0x4000  }
0x28: {  	[sflag:s16] =	ssyncset.done $0x0  }
0x29: {  	[sflag:s16] =	ssyncadd.s32 $0xFFFFC000  }
0x2a: {  	[spmem:s7] =	stream.linear.scatter [tilespmem:s15], [sflag:$0x2], $0x4000, $0x38;
	[tilespmem:$0x18180] =	vst v63  }
0x2b: {  	_ =	swait.ge [sflag:s16], $0x4000  }
0x2c: {  	[sflag:s16] =	ssyncset.done $0x0  }
0x2d: {  	[sflag:s16] =	ssyncadd.s32 $0xFFFFC000  }
0x2e: {  	[spmem:s8] =	stream.linear.scatter [tilespmem:s15], [sflag:$0x2], $0x4000, $0x38;
	[tilespmem:$0x18180] =	vst v63  }
0x2f: {  	_ =	swait.ge [sflag:s16], $0x4000  }
0x30: {  	[sflag:s16] =	ssyncset.done $0x0  }
0x31: {  	[sflag:s16] =	ssyncadd.s32 $0xFFFFC000  }
0x32: {  	[spmem:s9] =	stream.linear.scatter [tilespmem:s15], [sflag:$0x2], $0x4000, $0x38;
	[tilespmem:$0x18180] =	vst v63  }
0x33: {  	_ =	swait.ge [sflag:s16], $0x4000  }
0x34: {  	[sflag:s16] =	ssyncset.done $0x0  }
0x35: {  	[sflag:s16] =	ssyncadd.s32 $0xFFFFC000  }
0x36: {  	[spmem:s10] =	stream.linear.scatter [tilespmem:s15], [sflag:$0x2], $0x80, $0x38;
	[tilespmem:$0x18180] =	vst v63  }
0x37: {  	_ =	swait.ge [sflag:s16], $0x80  }
0x38: {  	[sflag:s16] =	ssyncset.done $0x0  }
0x39: {  	[sflag:s16] =	ssyncadd.s32 $0xFFFFFF80  }
0x3a: {  	s30 =	sadd.s32 $0x0, s14;
	[bflag:$0x0] =	sbarrier.arrive $0xFFFF  }
0x3b: {  	[tilespmem:s3], [sflag:$0x2] =	stream.linear.gather [hbm4b:s30+s3], $0x80, $0x38;
	[tilespmem:$0x18180] =	vst v63  }
0x3c: {  	_ =	swait.ge [sflag:s16], $0x80  }
0x3d: {  	[sflag:s16] =	ssyncset.done $0x0  }
0x3e: {  	s31 =	sadd.s32 $0x0, s13;
	[sflag:s16] =	ssyncadd.s32 $0xFFFFFF80  }
0x3f: {  	[tilespmem:s17], [sflag:$0x2] =	stream.linear.gather [hbm4b:s31+s3], $0x80, $0x38;
	[tilespmem:$0x18180] =	vst v63  }
0x40: {  	_ =	swait.ge [sflag:s16], $0x80  }
0x41: {  	[sflag:s16] =	ssyncset.done $0x0  }
0x42: {  	[sflag:s16] =	ssyncadd.s32 $0xFFFFFF80  }
0x43: {  	[tilespmem:s15], [sflag:$0x1] =	stream.indirect.gather [hbm4b:s4+s17], $0x80, s3, s17, $0xb8;
	[tilespmem:$0x18180] =	vst v63  }
0x44: {  	_ =	swait.ge [sflag:s18], $0x4000  }
0x45: {  	[sflag:s18] =	ssyncset.done $0x0  }
0x46: {  	[sflag:s18] =	ssyncadd.s32 $0xFFFFC000  }
0x47: {  	[spmem:s1] =	stream.indirect.scatter.add.f32 [tilespmem:s15], [sflag:$0x2], $0x80, s17, s17, $0xb8;
	[tilespmem:$0x18180] =	vst v63  }
0x48: {  	_ =	swait.ge [sflag:s16], $0x4000  }
0x49: {  	s22 =	simm.s32 $0x10;
	s23 =	simm.s32 $0x20;
	[sflag:s16] =	ssyncset.done $0x0  }
.LBB2_4:
0x4a: {  	s24 =	sadd.s32 s22, s14  }
0x4b: {  	[sflag:s16] =	ssyncadd.s32 $0xFFFFC000;
	s25 =	smov.u32 s23;
	s26 =	sadd.s32 $0x10, s23  }
0x4c: {  	[tilespmem:s3], [sflag:$0x2] =	stream.linear.gather [hbm4b:s24+s3], $0x80, $0x38;
	[tilespmem:$0x18180] =	vst v63  }
0x4d: {  	p0 =	sne.s32 s23, $0x4E0;
	_ =	swait.ge [sflag:s16], $0x80  }
0x4e: {  	[sflag:s16] =	ssyncset.done $0x0  }
0x4f: {  	s23 =	sadd.s32 s22, s13;
	s22 =	smov.u32 s25;
	[sflag:s16] =	ssyncadd.s32 $0xFFFFFF80  }
0x50: {  	[tilespmem:s17], [sflag:$0x2] =	stream.linear.gather [hbm4b:s23+s3], $0x80, $0x38;
	[tilespmem:$0x18180] =	vst v63  }
0x51: {  	_ =	swait.ge [sflag:s16], $0x80  }
0x52: {  	[sflag:s16] =	ssyncset.done $0x0  }
0x53: {  	[sflag:s16] =	ssyncadd.s32 $0xFFFFFF80  }
0x54: {  	[tilespmem:s15], [sflag:$0x1] =	stream.indirect.gather [hbm4b:s4+s17], $0x80, s3, s17, $0xb8;
	[tilespmem:$0x18180] =	vst v63  }
0x55: {  	_ =	swait.ge [sflag:s18], $0x4000  }
.Ltmp1:
0x56: {  	[sflag:s18] =	ssyncset.done $0x0;
	(pc) =	sbr.rel @p0 .LBB2_4-.Ltmp1, $4  }
0x57: {  	[sflag:s18] =	ssyncadd.s32 $0xFFFFC000  }
0x58: {  	[spmem:s1] =	stream.indirect.scatter.add.f32 [tilespmem:s15], [sflag:$0x2], $0x80, s17, s17, $0xb8;
	[tilespmem:$0x18180] =	vst v63  }
0x59: {  	_ =	swait.ge [sflag:s16], $0x4000  }
0x5a: {  	s23 =	smov.u32 s26;
	[sflag:s16] =	ssyncset.done $0x0  }
0x5b: {  	s23 =	sadd.s32 s22, s14;
	[sflag:s16] =	ssyncadd.s32 $0xFFFFC000  }
0x5c: {  	[tilespmem:s3], [sflag:$0x2] =	stream.linear.gather [hbm4b:s23+s3], $0x80, $0x38;
	[tilespmem:$0x18180] =	vst v63  }
0x5d: {  	_ =	swait.ge [sflag:s16], $0x80  }
0x5e: {  	[sflag:s16] =	ssyncset.done $0x0  }
0x5f: {  	s31 =	sadd.s32 s22, s13;
	[sflag:s16] =	ssyncadd.s32 $0xFFFFFF80  }
0x60: {  	[tilespmem:s17], [sflag:$0x2] =	stream.linear.gather [hbm4b:s31+s3], $0x80, $0x38;
	[tilespmem:$0x18180] =	vst v63  }
0x61: {  	_ =	swait.ge [sflag:s16], $0x80  }
0x62: {  	[sflag:s16] =	ssyncset.done $0x0  }
0x63: {  	[sflag:s16] =	ssyncadd.s32 $0xFFFFFF80  }
0x64: {  	[tilespmem:s15], [sflag:$0x1] =	stream.indirect.gather [hbm4b:s4+s17], $0x80, s3, s17, $0xb8;
	[tilespmem:$0x18180] =	vst v63  }
0x65: {  	_ =	swait.ge [sflag:s18], $0x4000  }
0x66: {  	[sflag:s18] =	ssyncset.done $0x0  }
0x67: {  	[sflag:s18] =	ssyncadd.s32 $0xFFFFC000  }
0x68: {  	[spmem:s1] =	stream.indirect.scatter.add.f32 [tilespmem:s15], [sflag:$0x2], $0x80, s17, s17, $0xb8;
	[tilespmem:$0x18180] =	vst v63  }
0x69: {  	_ =	swait.ge [sflag:s16], $0x4000  }
0x6a: {  	s21 =	sadd.s32 $0x1, s21;
	[sflag:s16] =	ssyncset.done $0x0  }
0x6b: {  	p0 =	sne.s32 s21, s12;
	[sflag:s16] =	ssyncadd.s32 $0xFFFFC000  }
.Ltmp2:
0x6c: {  	[bflag:$0x0] =	sbarrier.arrive $0xFFFF;
	(pc) =	sbr.rel @p0 .LBB2_1-.Ltmp2, $4  }
0x6d: {  	[hbm:s11], [sflag:s19] =	dma.local [spmem:s20], $0x2800  }
0x6e: {  	_ =	swait.ge [sflag:s16], $0x2800  }
0x6f: {  	[sflag:s16] =	ssyncset.done $0x0  }
0x70: {  	[sflag:s16] =	ssyncadd.s32 $0xFFFFD800  }
0x71: {  	_ =	sfence.sel $0x180000  }
0x72: {  	[bflag:$0x0] =	sbarrier.arrive $0xFFFF  }
0x73: {  	p0 =	sne.s32 s2, $0x0;
	_ =	strace $0x9000004A  }
0x74: {  	s0 =	sadd.s32 @!p0 $0x100000, s0;
	[bflag:$0x2] =	sbarrier.arrive $0xFFFF  }
0x75: {  	[sflag:s0] =	ssyncadd.tile.s32 @!p0 $0x1;
	_ =	shalt  }
.Lfunc_end2:
_tile_overlayer_lowered:
.L_overlay_start_2:
0x76: {  	(tag) =	ssettag $0x2  }
0x77: {  	s0 =	rddreg [dreg:$0x0];
	s2 =	stileid.u32  }
0x78: {  	s1 =	rddreg [dreg:$0x1];
	p0 =	sne.s32 s2, $0x0  }
0x79: {  	s3 =	rddreg [dreg:$0x2];
	[bflag:$0x3] =	sbarrier.arrive $0xFFFF;
	s2 =	simm.s32 @!p0 $0x1C02  }
0x7a: {  	[timem:s3], [sflag:s2] =	dma.local @!p0 [hbm:s0], s1  }
0x7b: {  	s0 =	simm.s32 @!p0 $0x2  }
0x7c: {  	_ =	swait.ge @!p0 [sflag:s0], s1  }
0x7d: {  	s1 =	ssub.s32 @!p0 $0x0, s1;
	[sflag:s0] =	ssyncset.done @!p0 $0x0  }
0x7e: {  	[sflag:s0] =	ssyncadd.s32 @!p0 s1  }
0x7f: {  	[bflag:$0x3] =	sbarrier.arrive $0xFFFF  }
0x80: {  	_ =	shalt  }

// kernel: kernel.7.cloned.1.call-start
scs
__scs_entry_jumppad:
0x0: {  	(pc) =	sbr.rel $0x88, $3  }
0x1: {  	(tag) =	ssettag $0x0;
	lr =	simm.s32 $0x1  }
0x2: {  	[smem:$0x3F8E] =	sst lr;
	_ =	strace $0xD0000000  }
0x3: {  	_ = 	snop  }
0x4: {  	_ = 	snop  }
0x5: {  	_ = 	snop  }
0x6: {  	_ = 	snop  }
0x7: {  	_ = 	snop  }
__scs_overlays_trampoline_lowered:
0x8: {  	[smem:$0x3F9D] =	sst s0  }
0x9: {  	[smem:$0x3F9E] =	sst s1  }
0xa: {  	[smem:$0x3F9F] =	sst s2  }
0xb: {  	[smem:$0x3FA0] =	sst s3  }
0xc: {  	[smem:$0x3FA1] =	sst s4  }
0xd: {  	[smem:$0x3FA2] =	sst s5  }
0xe: {  	[smem:$0x3FA3] =	sst s6  }
0xf: {  	[smem:$0x3FA4] =	sst s7  }
0x10: {  	[smem:$0x3FA5] =	sst s8  }
0x11: {  	[smem:$0x3FA6] =	sst s9;
	s0 =	simm.s32 @!p0 $0x0  }
0x12: {  	s1 =	sld [smem:$0x3F8C];
	s0 =	simm.s32 @p0 $0x1  }
0x13: {  	[smem:$0x3FA7] =	sst s0;
	s0 =	simm.s32 @!p1 $0x0  }
0x14: {  	s2 =	sld [smem:$0x3F8B];
	s0 =	simm.s32 @p1 $0x1  }
0x15: {  	[smem:$0x3FA8] =	sst s0;
	s0 =	simm.s32 @!p2 $0x0  }
0x16: {  	s3 =	sld [smem:$0x3FDB];
	s0 =	simm.s32 @p2 $0x1  }
0x17: {  	s4 =	simm.s32 $0x1BF5;
	[smem:$0x3FAA] =	sst s0  }
0x18: {  	s0 =	sld [smem:$0x3F8D];
	_ =	swait.ge [sflag:s4], $0x0  }
0x19: {  	s7 =	sld [smem:$0x3F8E]  }
0x1a: {  	s8 =	sadd.s32 $0xFFFFE003, lr  }
0x1b: {  	s9 =	sadd.s32 $0xFFFFFEF7, lr;
	s5 =	simm.s32 $0xFFFFFFFF;
	p2 =	slt.u32 s8, $0xFFFFF086  }
0x1c: {  	p1 =	slt.u32 s9, $0xF7A;
	s5 =	simm.s32 @!p2 $0x0  }
0x1d: {  	s5 =	simm.s32 @p1 $0x1;
	p0 =	seq.s32 s7, s2  }
0x1e: {  	s7 =	smul.u32 @!p0 $0xF7A, s2;
	p2 =	seq.s32 @!p0 s5, $0x0  }
0x1f: {  	s9 =	smul.u32 $0xF7A, s1;
	s8 =	simm.s32 @!p0 $0x1BF5;
	p2 =	por !p2, p0  }
0x20: {  	[sflag:s8] =	ssyncset.s32 @!p0 $0xFFFFF086;
	s6 =	sadd.s32 @!p0 s3, s7;
	s7 =	simm.s32 @!p0 $0x108  }
0x21: {  	s3 =	sadd.s32 s3, s9;
	s6 =	sadd.s32 @!p0 $0x88, s6;
	s7 =	simm.s32 @p2 $0x1082  }
0x22: {  	[simem:s7], [sflag:s8] =	dma.local @!p0 [hbm:s6], $0xF7A  }
0x23: {  	s9 =	sor.u32 $0xD0000000, s2;
	s6 =	simm.s32 $0x108;
	_ =	swait.ge @!p0 [sflag:s8], $0x0  }
0x24: {  	s3 =	sadd.s32 $0x88, s3;
	s6 =	simm.s32 @!p1 $0x1082;
	[sflag:s4] =	ssyncset.s32 $0xFFFFF086  }
0x25: {  	[simem:s6], [sflag:s4] =	dma.local [hbm:s3], $0xF7A  }
0x26: {  	[smem:$0x3F8E] =	sst s1;
	(tag) =	ssettag s2;
	_ =	strace s9  }
0x27: {  	s1 =	sld [smem:$0x3F9E]  }
0x28: {  	s2 =	sld [smem:$0x3F9F]  }
0x29: {  	s4 =	sld [smem:$0x3FA1]  }
0x2a: {  	p0 =	seq.s32 s5, $0x0;
	s5 =	sld [smem:$0x3FA2]  }
0x2b: {  	s6 =	sld [smem:$0x3FA3]  }
0x2c: {  	s7 =	sld [smem:$0x3FA4]  }
0x2d: {  	s3 =	simm.s32 $0x108;
	s8 =	sld [smem:$0x3FA5]  }
0x2e: {  	s3 =	simm.s32 @!p0 $0x1082;
	s9 =	sld [smem:$0x3FA6]  }
0x2f: {  	lr =	sadd.s32 s0, s3;
	s0 =	sld [smem:$0x3F9D]  }
0x30: {  	s3 =	sld [smem:$0x3FA0]  }
0x31: {  	[smem:$0x3FA9] =	sst s10  }
0x32: {  	s10 =	sld [smem:$0x3FA7];
	_ =	sdelay $0x3  }
0x33: {  	p0 =	seq.s32 s10, $0x1;
	s10 =	sld [smem:$0x3FA9];
	_ =	sdelay $0x3  }
0x34: {  	[smem:$0x3FA9] =	sst s10  }
0x35: {  	s10 =	sld [smem:$0x3FA8];
	_ =	sdelay $0x3  }
0x36: {  	p1 =	seq.s32 s10, $0x1;
	s10 =	sld [smem:$0x3FA9];
	_ =	sdelay $0x3  }
0x37: {  	[smem:$0x3FA9] =	sst s10  }
0x38: {  	s10 =	sld [smem:$0x3FAA]  }
0x39: {  	_ = 	snop;
	(pc) =	sbr.ind lr, $3  }
0x3a: {  	_ = 	snop  }
0x3b: {  	_ = 	snop  }
0x3c: {  	p2 =	seq.s32 s10, $0x1;
	s10 =	sld [smem:$0x3FA9]  }
0x3d: {  	_ =	shalt  }
0x3e: {  	_ =	shalt  }
0x3f: {  	_ =	shalt  }
0x40: {  	_ =	shalt  }
0x41: {  	_ =	shalt  }
0x42: {  	_ =	shalt  }
0x43: {  	_ =	shalt  }
0x44: {  	_ =	shalt  }
0x45: {  	_ =	shalt  }
0x46: {  	_ =	shalt  }
0x47: {  	_ =	shalt  }
0x48: {  	_ =	shalt  }
0x49: {  	_ =	shalt  }
0x4a: {  	_ =	shalt  }
0x4b: {  	_ =	shalt  }
0x4c: {  	_ =	shalt  }
0x4d: {  	_ =	shalt  }
0x4e: {  	_ =	shalt  }
0x4f: {  	_ =	shalt  }
0x50: {  	_ =	shalt  }
0x51: {  	_ =	shalt  }
0x52: {  	_ =	shalt  }
0x53: {  	_ =	shalt  }
0x54: {  	_ =	shalt  }
0x55: {  	_ =	shalt  }
0x56: {  	_ =	shalt  }
0x57: {  	_ =	shalt  }
0x58: {  	_ =	shalt  }
0x59: {  	_ =	shalt  }
0x5a: {  	_ =	shalt  }
0x5b: {  	_ =	shalt  }
0x5c: {  	_ =	shalt  }
0x5d: {  	_ =	shalt  }
0x5e: {  	_ =	shalt  }
0x5f: {  	_ =	shalt  }
0x60: {  	_ =	shalt  }
0x61: {  	_ =	shalt  }
0x62: {  	_ =	shalt  }
0x63: {  	_ =	shalt  }
0x64: {  	_ =	shalt  }
0x65: {  	_ =	shalt  }
0x66: {  	_ =	shalt  }
0x67: {  	_ =	shalt  }
0x68: {  	_ =	shalt  }
0x69: {  	_ =	shalt  }
0x6a: {  	_ =	shalt  }
0x6b: {  	_ =	shalt  }
0x6c: {  	_ =	shalt  }
0x6d: {  	_ =	shalt  }
0x6e: {  	_ =	shalt  }
0x6f: {  	_ =	shalt  }
0x70: {  	_ =	shalt  }
0x71: {  	_ =	shalt  }
0x72: {  	_ =	shalt  }
0x73: {  	_ =	shalt  }
0x74: {  	_ =	shalt  }
0x75: {  	_ =	shalt  }
0x76: {  	_ =	shalt  }
0x77: {  	_ =	shalt  }
0x78: {  	_ =	shalt  }
0x79: {  	_ =	shalt  }
0x7a: {  	_ =	shalt  }
0x7b: {  	_ =	shalt  }
0x7c: {  	_ =	shalt  }
0x7d: {  	_ =	shalt  }
0x7e: {  	_ =	shalt  }
0x7f: {  	_ =	shalt  }
0x80: {  	_ =	shalt  }
0x81: {  	_ =	shalt  }
0x82: {  	_ =	shalt  }
0x83: {  	_ =	shalt  }
0x84: {  	_ =	shalt  }
0x85: {  	_ =	shalt  }
0x86: {  	_ =	shalt  }
0x87: {  	_ =	shalt  }
.Lfunc_end0:
.L_simem_size_0:
called_computation_lowered:
.L_overlay_start_0:
0x88: {  	s2 =	sld [smem:$0x3FD9]  }
0x89: {  	s3 =	sld [smem:$0x3FFE];
	_ =	sdelay $0x1  }
0x8a: {  	s1 =	srdreg.scid  }
0x8b: {  	s0 =	sand.u32 $0x1, s1  }
0x8c: {  	s16 =	sshll.u32 s0, $0xA;
	s2 =	sadd.s32 s3, s2  }
0x8d: {  	s2 =	sadd.s32 s2, s16  }
0x8e: {  	[smem:$0x3FB5] =	sst s2  }
0x8f: {  	_ = 	snop  }
0x90: {  	(tm) =	ssettm $0x1  }
0x91: {  	s17 =	sld [smem:$0x3FFB];
	_ =	sdelay $0x3  }
0x92: {  	_ =	strace s17  }
0x93: {  	s2 =	sld [smem:$0x3FFC];
	_ =	sdelay $0x3  }
0x94: {  	_ =	strace s2  }
0x95: {  	s2 =	sld [smem:$0x3FFD];
	_ =	sdelay $0x3  }
0x96: {  	_ =	strace s2  }
0x97: {  	_ =	strace $0x8FFFFFFF  }
0x98: {  	s18 =	sld [smem:$0x3FDB];
	_ =	sdelay $0x1  }
0x99: {  	s19 =	simm.s32 $_scs_section_size  }
0x9a: {  	s4 =	simm.s32 $_size__tile_overlayer_lowered;
	s5 =	simm.s32 $_tile_overlayer_lowered  }
0x9b: {  	s22 =	simm.s32 $0x1BFF;
	s21 =	sshll.u32 s5, $0x1;
	s2 =	sadd.s32 s19, s18  }
0x9c: {  	s6 =	simm.s32 $0x0;
	s20 =	sshll.u32 s4, $0x1;
	s4 =	sadd.s32 s21, s2  }
0x9d: {  	[timem:s6], [sflag:s22] =	dma.local [hbm:s4], s20  }
0x9e: {  	_ =	swait.ge [sflag:s22], s20  }
0x9f: {  	s3 =	ssub.s32 $0x0, s20;
	[sflag:s22] =	ssyncset.done $0x0  }
0xa0: {  	[sflag:s22] =	ssyncadd.s32 s3;
	_ =	sdelay $0x1  }
0xa1: {  	s23 =	simm.s32 $0x1B8B  }
0xa2: {  	_ =	swait.ge [sflag:s23], $0x1  }
0xa3: {  	[sflag:s23] =	ssyncset.done $0x0  }
0xa4: {  	s25 =	simm.s32 $0x1B8E;
	s24 =	sld [smem:$0x3FFE];
	[sflag:s23] =	ssyncadd.s32 $0xFFFFFFFF  }
0xa5: {  	s26 =	simm.s32 $execute0_lowered;
	[smem:$0x3FD2] =	sst s25  }
0xa6: {  	s4 =	sshll.u32 s26, $0x1;
	_ =	strace $0x80000046;
	[dreg:$0x1] =	wrdreg $0xFFFFFFFF  }
0xa7: {  	s28 =	simm.s32 $_size_execute0_lowered;
	s2 =	sadd.s32 s2, s4;
	[dreg:$0x0] =	wrdreg $0x0  }
0xa8: {  	s4 =	sshll.u32 s28, $0x1;
	[dreg:$0x2] =	wrdreg s2  }
0xa9: {  	[dreg:$0x3] =	wrdreg s4  }
0xaa: {  	[dreg:$0x4] =	wrdreg $0xC0  }
0xab: {  	_ =	task [dreg:s6], $0x5FFFF  }
0xac: {  	[dreg:$0x1] =	wrdreg $0xFFFFFFFF  }
0xad: {  	[dreg:$0x0] =	wrdreg $0x60  }
0xae: {  	[dreg:$0x2] =	wrdreg s24  }
0xaf: {  	[dreg:$0x3] =	wrdreg $0x41000  }
0xb0: {  	[dreg:$0x4] =	wrdreg $0x9  }
0xb1: {  	_ =	task.clear_ibuf [dreg:s6], $0x5FFFF;
	_ =	strace $0x90000046  }
0xb2: {  	s29 =	simm.s32 $0x9;
	_ =	strace $0x80000048  }
0xb3: {  	_ =	swait.ge [sflag:s29], $0x1  }
0xb4: {  	[sflag:s29] =	ssyncadd.s32 $0xFFFFFFFF  }
0xb5: {  	_ =	strace $0x90000048  }
0xb6: {  	_ =	sfence  }
0xb7: {  	s30 =	sld [smem:$0x0];
	_ =	sdelay $0x2  }
0xb8: {  	s31 =	sshll.u32 s1, $0xD;
	s1 =	sshrl.u32 s1, $0x2  }
0xb9: {  	s3 =	sand.u32 $0x4000, s31;
	s1 =	sadd.s32 s1, s30  }
0xba: {  	s0 =	sor.u32 s3, s0;
	s1 =	sshll.u32 s1, $0x11  }
0xbb: {  	s0 =	sor.u32 s1, s0  }
0xbc: {  	s0 =	sadd.s32 $0x8F2B, s0  }
0xbd: {  	[sflag:s0] =	ssyncadd.remote.s32 $0x1  }
0xbe: {  	_ =	sfence.sel $0xFFFF  }
0xbf: {  	[dreg:$0x0] =	wrdreg $0xFFFFFFFF;
	(pc) =	sbr.abs _section_cstart, $3  }
0xc0: {  	[dreg:$0x1] =	wrdreg $0xFFFFFFFF  }
0xc1: {  	_ =	task.clear_ibuf [dreg:s6], $0x2FFFF;
	_ =	strace $0x9FFFFFFF  }
0xc2: {  	(tm) =	ssettm $0x7FFFFFFF  }
0xc3: {  	_ =	shalt  }
tec
execute0_lowered:
.L_overlay_start_1:
0x0: {  	(tag) =	ssettag $0x1  }
0x1: {  	s5 =	rddreg [dreg:$0x0]  }
0x2: {  	s1 =	rddreg [dreg:$0x1];
	s2 =	srdreg.scid  }
0x3: {  	s0 =	rddreg [dreg:$0x2];
	s3 =	simm.s32 $0x0;
	s6 =	sand.u32 $0x1, s2  }
0x4: {  	s16 =	simm.s32 $0x2;
	s2 =	stileid.u32;
	s7 =	smul.u32 $0x140000, s6  }
0x5: {  	s17 =	simm.s32 $0x80;
	s18 =	simm.s32 $0x1;
	s8 =	smul.u32 $0x14000, s2  }
0x6: {  	s21 =	simm.s32 $0x0;
	[smem:$0x7FF] =	sst s3;
	s9 =	smul.u32 $0x4F00, s6  }
0x7: {  	s4 =	sadd.s32 $0x16E00, s5;
	_ =	strace $0x80000047;
	s29 =	smul.u32 $0x50200, s2  }
0x8: {  	s6 =	ssub.s32 $0x2, s6;
	s14 =	smul.u32 $0x50000, s2;
	s19 =	sshll.u32 s2, $0x6  }
0x9: {  	s15 =	smul.u32 $0x4F0, s2;
	s30 =	sshrl.u32 s6, $0x1;
	s19 =	sor.u32 $0x1C02, s19  }
0xa: {  	s7 =	sadd.s32 s8, s7;
	s12 =	sadd.s32 s9, s5;
	s31 =	sshrl.u32 s29, $0x2  }
0xb: {  	s13 =	ssub.s32 s6, s30;
	s14 =	sshrl.u32 s14, $0x2;
	s7 =	sshrl.u32 s7, $0x3  }
0xc: {  	s15 =	sadd.s32 s15, s12;
	s20 =	sadd.s32 s14, s1;
	s12 =	smax.u32 s13, $0x1  }
0xd: {  	s11 =	sadd.s32 s7, s5;
	s5 =	sadd.s32 s31, s1;
	s13 =	sadd.s32 $0xD000, s15  }
0xe: {  	s14 =	sadd.s32 $0x3200, s15;
	s15 =	simm.s32 $0x100;
	s20 =	sshrl.u32 s20, $0x3  }
0xf: {  	s6 =	sadd.s32 $0x4000, s5;
	s7 =	sadd.s32 $0x8000, s5;
	s8 =	sadd.s32 $0xC000, s5  }
0x10: {  	v0 =	vimm.f32 $0.0e+00;
	s9 =	sadd.s32 $0x10000, s5;
	s10 =	sadd.s32 $0x14000, s5;
	s11 =	sadd.s32 $0x3EE00, s11  }
.LBB2_1:
0x11: {  	s22 =	simm.s32 $0x0;
	s23 =	simm.s32 $0x200  }
.LBB2_2:
0x12: {  	p0 =	sne.s32 s23, $0xFE00;
	[tilespmem:s22+$0x170] =	vst v0  }
0x13: {  	[tilespmem:s22+$0x100] =	vst v0  }
0x14: {  	[tilespmem:s22+$0x110] =	vst v0  }
.Ltmp0:
0x15: {  	[tilespmem:s22+$0x120] =	vst v0;
	(pc) =	sbr.rel @p0 .LBB2_2-.Ltmp0, $4  }
0x16: {  	[tilespmem:s22+$0x130] =	vst v0  }
0x17: {  	[tilespmem:s22+$0x140] =	vst v0  }
0x18: {  	[tilespmem:s22+$0x150] =	vst v0  }
0x19: {  	[tilespmem:s22+$0x160] =	vst v0;
	s22 =	sshra.s32 s23, $0x2;
	s23 =	sadd.s32 $0x200, s23  }
0x1a: {  	[tilespmem:s22+$0x170] =	vst v0  }
0x1b: {  	[tilespmem:s22+$0x100] =	vst v0  }
0x1c: {  	[tilespmem:s22+$0x110] =	vst v0  }
0x1d: {  	[tilespmem:s22+$0x120] =	vst v0  }
0x1e: {  	[tilespmem:s22+$0x130] =	vst v0  }
0x1f: {  	[tilespmem:s22+$0x140] =	vst v0  }
0x20: {  	[tilespmem:s22+$0x150] =	vst v0  }
0x21: {  	[tilespmem:s22+$0x160] =	vst v0  }
0x22: {  	[spmem:s5] =	stream.linear.scatter [tilespmem:s15], [sflag:$0x2], $0x4000, $0x38;
	[tilespmem:$0x18180] =	vst v63  }
0x23: {  	_ =	swait.ge [sflag:s16], $0x4000  }
0x24: {  	[sflag:s16] =	ssyncset.done $0x0  }
0x25: {  	[sflag:s16] =	ssyncadd.s32 $0xFFFFC000  }
0x26: {  	[spmem:s6] =	stream.linear.scatter [tilespmem:s15], [sflag:$0x2], $0x4000, $0x38;
	[tilespmem:$0x18180] =	vst v63  }
0x27: {  	_ =	swait.ge [sflag:s16], $0x4000  }
0x28: {  	[sflag:s16] =	ssyncset.done $0x0  }
0x29: {  	[sflag:s16] =	ssyncadd.s32 $0xFFFFC000  }
0x2a: {  	[spmem:s7] =	stream.linear.scatter [tilespmem:s15], [sflag:$0x2], $0x4000, $0x38;
	[tilespmem:$0x18180] =	vst v63  }
0x2b: {  	_ =	swait.ge [sflag:s16], $0x4000  }
0x2c: {  	[sflag:s16] =	ssyncset.done $0x0  }
0x2d: {  	[sflag:s16] =	ssyncadd.s32 $0xFFFFC000  }
0x2e: {  	[spmem:s8] =	stream.linear.scatter [tilespmem:s15], [sflag:$0x2], $0x4000, $0x38;
	[tilespmem:$0x18180] =	vst v63  }
0x2f: {  	_ =	swait.ge [sflag:s16], $0x4000  }
0x30: {  	[sflag:s16] =	ssyncset.done $0x0  }
0x31: {  	[sflag:s16] =	ssyncadd.s32 $0xFFFFC000  }
0x32: {  	[spmem:s9] =	stream.linear.scatter [tilespmem:s15], [sflag:$0x2], $0x4000, $0x38;
	[tilespmem:$0x18180] =	vst v63  }
0x33: {  	_ =	swait.ge [sflag:s16], $0x4000  }
0x34: {  	[sflag:s16] =	ssyncset.done $0x0  }
0x35: {  	[sflag:s16] =	ssyncadd.s32 $0xFFFFC000  }
0x36: {  	[spmem:s10] =	stream.linear.scatter [tilespmem:s15], [sflag:$0x2], $0x80, $0x38;
	[tilespmem:$0x18180] =	vst v63  }
0x37: {  	_ =	swait.ge [sflag:s16], $0x80  }
0x38: {  	[sflag:s16] =	ssyncset.done $0x0  }
0x39: {  	[sflag:s16] =	ssyncadd.s32 $0xFFFFFF80  }
0x3a: {  	s30 =	sadd.s32 $0x0, s14;
	[bflag:$0x0] =	sbarrier.arrive $0xFFFF  }
0x3b: {  	[tilespmem:s3], [sflag:$0x2] =	stream.linear.gather [hbm4b:s30+s3], $0x80, $0x38;
	[tilespmem:$0x18180] =	vst v63  }
0x3c: {  	_ =	swait.ge [sflag:s16], $0x80  }
0x3d: {  	[sflag:s16] =	ssyncset.done $0x0  }
0x3e: {  	s31 =	sadd.s32 $0x0, s13;
	[sflag:s16] =	ssyncadd.s32 $0xFFFFFF80  }
0x3f: {  	[tilespmem:s17], [sflag:$0x2] =	stream.linear.gather [hbm4b:s31+s3], $0x80, $0x38;
	[tilespmem:$0x18180] =	vst v63  }
0x40: {  	_ =	swait.ge [sflag:s16], $0x80  }
0x41: {  	[sflag:s16] =	ssyncset.done $0x0  }
0x42: {  	[sflag:s16] =	ssyncadd.s32 $0xFFFFFF80  }
0x43: {  	[tilespmem:s15], [sflag:$0x1] =	stream.indirect.gather [hbm4b:s4+s17], $0x80, s3, s17, $0xb8;
	[tilespmem:$0x18180] =	vst v63  }
0x44: {  	_ =	swait.ge [sflag:s18], $0x4000  }
0x45: {  	[sflag:s18] =	ssyncset.done $0x0  }
0x46: {  	[sflag:s18] =	ssyncadd.s32 $0xFFFFC000  }
0x47: {  	[spmem:s1] =	stream.indirect.scatter.add.f32 [tilespmem:s15], [sflag:$0x2], $0x80, s17, s17, $0xb8;
	[tilespmem:$0x18180] =	vst v63  }
0x48: {  	_ =	swait.ge [sflag:s16], $0x4000  }
0x49: {  	s22 =	simm.s32 $0x10;
	s23 =	simm.s32 $0x20;
	[sflag:s16] =	ssyncset.done $0x0  }
.LBB2_4:
0x4a: {  	s24 =	sadd.s32 s22, s14  }
0x4b: {  	[sflag:s16] =	ssyncadd.s32 $0xFFFFC000;
	s25 =	smov.u32 s23;
	s26 =	sadd.s32 $0x10, s23  }
0x4c: {  	[tilespmem:s3], [sflag:$0x2] =	stream.linear.gather [hbm4b:s24+s3], $0x80, $0x38;
	[tilespmem:$0x18180] =	vst v63  }
0x4d: {  	p0 =	sne.s32 s23, $0x4E0;
	_ =	swait.ge [sflag:s16], $0x80  }
0x4e: {  	[sflag:s16] =	ssyncset.done $0x0  }
0x4f: {  	s23 =	sadd.s32 s22, s13;
	s22 =	smov.u32 s25;
	[sflag:s16] =	ssyncadd.s32 $0xFFFFFF80  }
0x50: {  	[tilespmem:s17], [sflag:$0x2] =	stream.linear.gather [hbm4b:s23+s3], $0x80, $0x38;
	[tilespmem:$0x18180] =	vst v63  }
0x51: {  	_ =	swait.ge [sflag:s16], $0x80  }
0x52: {  	[sflag:s16] =	ssyncset.done $0x0  }
0x53: {  	[sflag:s16] =	ssyncadd.s32 $0xFFFFFF80  }
0x54: {  	[tilespmem:s15], [sflag:$0x1] =	stream.indirect.gather [hbm4b:s4+s17], $0x80, s3, s17, $0xb8;
	[tilespmem:$0x18180] =	vst v63  }
0x55: {  	_ =	swait.ge [sflag:s18], $0x4000  }
.Ltmp1:
0x56: {  	[sflag:s18] =	ssyncset.done $0x0;
	(pc) =	sbr.rel @p0 .LBB2_4-.Ltmp1, $4  }
0x57: {  	[sflag:s18] =	ssyncadd.s32 $0xFFFFC000  }
0x58: {  	[spmem:s1] =	stream.indirect.scatter.add.f32 [tilespmem:s15], [sflag:$0x2], $0x80, s17, s17, $0xb8;
	[tilespmem:$0x18180] =	vst v63  }
0x59: {  	_ =	swait.ge [sflag:s16], $0x4000  }
0x5a: {  	s23 =	smov.u32 s26;
	[sflag:s16] =	ssyncset.done $0x0  }
0x5b: {  	s23 =	sadd.s32 s22, s14;
	[sflag:s16] =	ssyncadd.s32 $0xFFFFC000  }
0x5c: {  	[tilespmem:s3], [sflag:$0x2] =	stream.linear.gather [hbm4b:s23+s3], $0x80, $0x38;
	[tilespmem:$0x18180] =	vst v63  }
0x5d: {  	_ =	swait.ge [sflag:s16], $0x80  }
0x5e: {  	[sflag:s16] =	ssyncset.done $0x0  }
0x5f: {  	s31 =	sadd.s32 s22, s13;
	[sflag:s16] =	ssyncadd.s32 $0xFFFFFF80  }
0x60: {  	[tilespmem:s17], [sflag:$0x2] =	stream.linear.gather [hbm4b:s31+s3], $0x80, $0x38;
	[tilespmem:$0x18180] =	vst v63  }
0x61: {  	_ =	swait.ge [sflag:s16], $0x80  }
0x62: {  	[sflag:s16] =	ssyncset.done $0x0  }
0x63: {  	[sflag:s16] =	ssyncadd.s32 $0xFFFFFF80  }
0x64: {  	[tilespmem:s15], [sflag:$0x1] =	stream.indirect.gather [hbm4b:s4+s17], $0x80, s3, s17, $0xb8;
	[tilespmem:$0x18180] =	vst v63  }
0x65: {  	_ =	swait.ge [sflag:s18], $0x4000  }
0x66: {  	[sflag:s18] =	ssyncset.done $0x0  }
0x67: {  	[sflag:s18] =	ssyncadd.s32 $0xFFFFC000  }
0x68: {  	[spmem:s1] =	stream.indirect.scatter.add.f32 [tilespmem:s15], [sflag:$0x2], $0x80, s17, s17, $0xb8;
	[tilespmem:$0x18180] =	vst v63  }
0x69: {  	_ =	swait.ge [sflag:s16], $0x4000  }
0x6a: {  	s21 =	sadd.s32 $0x1, s21;
	[sflag:s16] =	ssyncset.done $0x0  }
0x6b: {  	p0 =	sne.s32 s21, s12;
	[sflag:s16] =	ssyncadd.s32 $0xFFFFC000  }
.Ltmp2:
0x6c: {  	[bflag:$0x0] =	sbarrier.arrive $0xFFFF;
	(pc) =	sbr.rel @p0 .LBB2_1-.Ltmp2, $4  }
0x6d: {  	[hbm:s11], [sflag:s19] =	dma.local [spmem:s20], $0x2800  }
0x6e: {  	_ =	swait.ge [sflag:s16], $0x2800  }
0x6f: {  	[sflag:s16] =	ssyncset.done $0x0  }
0x70: {  	[sflag:s16] =	ssyncadd.s32 $0xFFFFD800  }
0x71: {  	_ =	sfence.sel $0x180000  }
0x72: {  	[bflag:$0x0] =	sbarrier.arrive $0xFFFF  }
0x73: {  	p0 =	sne.s32 s2, $0x0;
	_ =	strace $0x90000047  }
0x74: {  	s0 =	sadd.s32 @!p0 $0x100000, s0;
	[bflag:$0x2] =	sbarrier.arrive $0xFFFF  }
0x75: {  	[sflag:s0] =	ssyncadd.tile.s32 @!p0 $0x1;
	_ =	shalt  }
.Lfunc_end2:
_tile_overlayer_lowered:
.L_overlay_start_2:
0x76: {  	(tag) =	ssettag $0x2  }
0x77: {  	s0 =	rddreg [dreg:$0x0];
	s2 =	stileid.u32  }
0x78: {  	s1 =	rddreg [dreg:$0x1];
	p0 =	sne.s32 s2, $0x0  }
0x79: {  	s3 =	rddreg [dreg:$0x2];
	[bflag:$0x3] =	sbarrier.arrive $0xFFFF;
	s2 =	simm.s32 @!p0 $0x1C02  }
0x7a: {  	[timem:s3], [sflag:s2] =	dma.local @!p0 [hbm:s0], s1  }
0x7b: {  	s0 =	simm.s32 @!p0 $0x2  }
0x7c: {  	_ =	swait.ge @!p0 [sflag:s0], s1  }
0x7d: {  	s1 =	ssub.s32 @!p0 $0x0, s1;
	[sflag:s0] =	ssyncset.done @!p0 $0x0  }
0x7e: {  	[sflag:s0] =	ssyncadd.s32 @!p0 s1  }
0x7f: {  	[bflag:$0x3] =	sbarrier.arrive $0xFFFF  }
0x80: {  	_ =	shalt  }

</sc_bundles>
